<compile_context>
chip_gen: v7x
topology: tpu7x:2x2x1
jax: 0.10.2.dev20260603
libtpu: 0.0.44.dev20260713+nightly
codegen_flags: <defaults>
</compile_context>

<pallas_src>
import jax
import jax.numpy as jnp
from jax import lax
from jax.experimental import pallas as pl
from jax.experimental.pallas import tpu as pltpu
from jax.experimental.pallas import tpu_sc as plsc

_VOCAB = 1000000
_DIM = 128
_CTX = 200

_NC = 2
_NS = 16
_NW = _NC * _NS
_RPW = 8
_PAD = _NW * _RPW
_NVALID = _CTX // _RPW

_CH = 5000
_NCH = _VOCAB // _CH
_NBUF = 4


def _sc_gather_body(idx_hbm, emb_hbm, out_hbm, idx_v, rows_v, acc_v, sem):
    c = lax.axis_index("c")
    s = lax.axis_index("s")
    wid = s * _NC + c
    base = wid * _RPW
    pltpu.sync_copy(idx_hbm.at[pl.ds(base, _RPW)], idx_v)
    pltpu.async_copy(emb_hbm.at[idx_v], rows_v, sem).wait()
    scale = jnp.where(wid < _NVALID, jnp.float32(1.0 / _CTX), jnp.float32(0.0))
    for j in range(_DIM // 16):
        acc = rows_v[0, pl.ds(j * 16, 16)]
        for r in range(1, _RPW):
            acc = acc + rows_v[r, pl.ds(j * 16, 16)]
        acc_v[pl.ds(j * 16, 16)] = acc * scale
    pltpu.sync_copy(acc_v, out_hbm.at[wid])


_sc_gather = pl.kernel(
    _sc_gather_body,
    out_type=jax.ShapeDtypeStruct((_NW, _DIM), jnp.float32),
    mesh=plsc.VectorSubcoreMesh(
        core_axis_name="c", subcore_axis_name="s",
        num_cores=_NC, num_subcores=_NS,
    ),
    scratch_types=[
        pltpu.VMEM((_RPW,), jnp.int32),
        pltpu.VMEM((_RPW, _DIM), jnp.float32),
        pltpu.VMEM((_DIM,), jnp.float32),
        pltpu.SemaphoreType.DMA,
    ],
)


def _main_body(p_ref, w_hbm, out_hbm,
               wbuf, mscr, lscr, oscr, wsem, osem):
    def start_w(i, j):
        pltpu.make_async_copy(
            w_hbm.at[pl.ds(i * _CH, _CH), :], wbuf.at[j], wsem.at[j]).start()

    def wait_w(i, j):
        pltpu.make_async_copy(
            w_hbm.at[pl.ds(i * _CH, _CH), :], wbuf.at[j], wsem.at[j]).wait()

    for j in range(_NBUF):
        start_w(j, j)

    v = jnp.sum(p_ref[...], axis=0, keepdims=True)
    mscr[...] = jnp.full((1, _CH), -jnp.inf, jnp.float32)

    def outer(i0, carry):
        for j in range(_NBUF):
            i = i0 * _NBUF + j
            wait_w(i, j)
            logits = lax.dot_general(
                v, wbuf[j], (((1,), (1,)), ((), ())),
                preferred_element_type=jnp.float32,
            )
            nxt = i + _NBUF

            @pl.when(nxt < _NCH)
            def _():
                start_w(nxt, j)

            lscr[pl.ds(i, 1)] = logits.reshape(1, 1, _CH)
            mscr[...] = jnp.maximum(mscr[...], logits)
        return carry

    lax.fori_loop(0, _NCH // _NBUF, outer, jnp.int32(0))

    m = jnp.max(mscr[...])
    s = jnp.sum(jnp.exp(lscr[...] - m))
    lse = m + jnp.log(s)
    oscr[...] = lscr[...] - lse
    cp = pltpu.make_async_copy(oscr, out_hbm, osem)
    cp.start()
    cp.wait()


_MAIN = pl.pallas_call(
    _main_body,
    in_specs=[
        pl.BlockSpec(memory_space=pltpu.VMEM),
        pl.BlockSpec(memory_space=pl.ANY),
    ],
    out_specs=pl.BlockSpec(memory_space=pl.ANY),
    out_shape=jax.ShapeDtypeStruct((_NCH, 1, _CH), jnp.float32),
    scratch_shapes=[
        pltpu.VMEM((_NBUF, _CH, _DIM), jnp.float32),
        pltpu.VMEM((1, _CH), jnp.float32),
        pltpu.VMEM((_NCH, 1, _CH), jnp.float32),
        pltpu.VMEM((_NCH, 1, _CH), jnp.float32),
        pltpu.SemaphoreType.DMA((_NBUF,)),
        pltpu.SemaphoreType.DMA,
    ],
)


def kernel(inputs, emb, W, b):
    idx = jnp.zeros((_PAD,), jnp.int32).at[:_CTX].set(inputs.astype(jnp.int32))
    partials = _sc_gather(idx, emb)
    del b
    out = _MAIN(partials, W)
    return out.reshape(1, _VOCAB)

# --- scband reference (transcript-rebuilt; emitter-appended) ---
"""Pipeline reference for scband-cbow-50414326120590 (READ-ONLY COPY).

The authoritative reference and input builder live on the scoring server;
editing this copy changes nothing except your own understanding.
"""

import jax, jax.numpy as jnp
import numpy as np

VOCAB = 1000000
DIM = 128
CTX = 200


def setup_inputs(seed: int = 0) -> dict:
    key = jax.random.key(seed)
    k1, k2, k3 = jax.random.split(key, 3)
    inputs = jax.random.randint(k1, (CTX,), 0, VOCAB)
    emb = jax.random.normal(k2, (VOCAB, DIM), dtype=jnp.float32) * 0.02
    W = jax.random.normal(k3, (VOCAB, DIM), dtype=jnp.float32) * 0.02
    b = jnp.zeros((VOCAB,), dtype=jnp.float32)
    return {"inputs": inputs, "emb": emb, "W": W, "b": b}


def reference(inputs, emb, W, b):
    # embeds = self.embeddings(inputs)
    embeds = jnp.take(emb, inputs, axis=0)          # [CTX, DIM]
    # embeds = embeds.unsqueeze(0)
    embeds = embeds[None, :, :]                      # [1, CTX, DIM]
    # out = torch.sum(embeds, dim=1) / self.context_size
    out = jnp.sum(embeds, axis=1) / CTX              # [1, DIM]
    # out = self.linear(out)  (torch Linear: x @ W.T + b)
    out = out @ W.T + b                              # [1, VOCAB]
    # log_probs = F.log_softmax(out, dim=1)
    log_probs = jax.nn.log_softmax(out, axis=1)
    return log_probs

if __name__ == "__main__":
    import jax
    _d = setup_inputs()
    print(jax.jit(kernel)(*tuple(_d.values())))

</pallas_src>

<mosaic_0001>
#map = affine_map<(d0, d1) -> (0)>
#map1 = affine_map<(d0, d1) -> (0, 0)>
module attributes {stable_mosaic.version = 14 : i64} {
  func.func @_sc_gather_body(%arg0: i32, %arg1: i32, %arg2: memref<256xi32, #tpu.memory_space<hbm>>, %arg3: memref<1000000x128xf32, #tpu.memory_space<hbm>>, %arg4: memref<32x128xf32, #tpu.memory_space<hbm>>, %arg5: memref<8xi32, #tpu.memory_space<vmem>>, %arg6: memref<8x128xf32, #tpu.memory_space<vmem>>, %arg7: memref<128xf32, #tpu.memory_space<vmem>>, %arg8: memref<!tpu.dma_semaphore, #tpu.memory_space<semaphore_mem>>) attributes {dimension_semantics = [#tpu.dimension_semantics<core_parallel>, #tpu.dimension_semantics<subcore_parallel>], iteration_bounds = array<i64: 2, 16>, scalar_prefetch = 0 : i64, scratch_operands = 4 : i64, tpu.core_type = #tpu.core_type<sc_vector_subcore>, window_params = [{transform_indices = #map}, {transform_indices = #map1}, {transform_indices = #map1}]} {
    %mul3A = arith.constant 2 : i32
    %mul3A_0 = arith.muli %arg1, %mul3A : i32
    %add3A = arith.addi %mul3A_0, %arg0 : i32
    %mul3A_1 = arith.constant 8 : i32
    %mul3A_2 = arith.muli %add3A, %mul3A_1 : i32
    "tpu.region"() ({
      %run_scoped3A = tpu.sem_alloc : memref<!tpu.dma_semaphore, #tpu.memory_space<semaphore_mem>>
      %dma_start3A_431 = tpu.memref_slice %arg2[%mul3A_2] : memref<256xi32, #tpu.memory_space<hbm>> -> memref<8xi32, #tpu.memory_space<hbm>>
      %dma_start3A_432 = tpu.memref_slice %arg2[%mul3A_2] : memref<256xi32, #tpu.memory_space<hbm>> -> memref<8xi32, #tpu.memory_space<hbm>>
      tpu.enqueue_dma source(%dma_start3A_432 : memref<8xi32, #tpu.memory_space<hbm>>) target(%arg5 : memref<8xi32, #tpu.memory_space<vmem>>) target_semaphore(%run_scoped3A : memref<!tpu.dma_semaphore, #tpu.memory_space<semaphore_mem>>)
      %dma_wait3A_433 = tpu.memref_slice %arg2[%mul3A_2] : memref<256xi32, #tpu.memory_space<hbm>> -> memref<8xi32, #tpu.memory_space<hbm>>
      %dma_wait3A_434 = tpu.memref_slice %arg2[%mul3A_2] : memref<256xi32, #tpu.memory_space<hbm>> -> memref<8xi32, #tpu.memory_space<hbm>>
      tpu.wait_dma2 semaphore(%run_scoped3A : memref<!tpu.dma_semaphore, #tpu.memory_space<semaphore_mem>>) src(%dma_wait3A_434 : memref<8xi32, #tpu.memory_space<hbm>>) dst(%arg5 : memref<8xi32, #tpu.memory_space<vmem>>)
      tpu.yield
    }) : () -> ()
    %dma_start3A = arith.constant 0 : i32
    %dma_start3A_3 = arith.constant 0 : i32
    %dma_start3A_4 = tpu.memref_slice %arg3[%dma_start3A, %dma_start3A_3] : memref<1000000x128xf32, #tpu.memory_space<hbm>> -> memref<1000000x128xf32, #tpu.memory_space<hbm>>
    tpu.enqueue_indirect_dma source(%dma_start3A_4 : memref<1000000x128xf32, #tpu.memory_space<hbm>>) target(%arg6 : memref<8x128xf32, #tpu.memory_space<vmem>>) offsets(%arg5 : memref<8xi32, #tpu.memory_space<vmem>>) semaphore(%arg8 : memref<!tpu.dma_semaphore, #tpu.memory_space<semaphore_mem>>)
    %dma_wait3A = arith.constant 0 : i32
    %dma_wait3A_5 = arith.constant 0 : i32
    %dma_wait3A_6 = tpu.memref_slice %arg3[%dma_wait3A, %dma_wait3A_5] : memref<1000000x128xf32, #tpu.memory_space<hbm>> -> memref<1000000x128xf32, #tpu.memory_space<hbm>>
    tpu.wait_indirect_dma semaphore(%arg8 : memref<!tpu.dma_semaphore, #tpu.memory_space<semaphore_mem>>) src(%dma_wait3A_6 : memref<1000000x128xf32, #tpu.memory_space<hbm>>) dst(%arg6 : memref<8x128xf32, #tpu.memory_space<vmem>>)
    %lt3A = arith.constant 25 : i32
    %lt3A_7 = arith.cmpi slt, %add3A, %lt3A : i32
    %jit3A = arith.constant 5.000000e-03 : f32
    %jit3A_8 = arith.constant 0.000000e+00 : f32
    %select_n3A = arith.select %lt3A_7, %jit3A, %jit3A_8 : f32
    %get3A = arith.constant 0 : i32
    %get3A_9 = arith.index_cast %get3A : i32 to index
    %get3A_10 = arith.constant 0 : index
    %get3A_11 = tpu.vector_load %arg6[%get3A_9, %get3A_10] {strides = array<i32>} : memref<8x128xf32, #tpu.memory_space<vmem>>, vector<1x16xf32>,
    %get3A_12 = vector.shape_cast %get3A_11 : vector<1x16xf32> to vector<16xf32>
    %get3A_13 = arith.constant 1 : i32
    %get3A_14 = arith.index_cast %get3A_13 : i32 to index
    %get3A_15 = arith.constant 0 : index
    %get3A_16 = tpu.vector_load %arg6[%get3A_14, %get3A_15] {strides = array<i32>} : memref<8x128xf32, #tpu.memory_space<vmem>>, vector<1x16xf32>,
    %get3A_17 = vector.shape_cast %get3A_16 : vector<1x16xf32> to vector<16xf32>
    %add3A_18 = arith.addf %get3A_12, %get3A_17 : vector<16xf32>
    %get3A_19 = arith.constant 2 : i32
    %get3A_20 = arith.index_cast %get3A_19 : i32 to index
    %get3A_21 = arith.constant 0 : index
    %get3A_22 = tpu.vector_load %arg6[%get3A_20, %get3A_21] {strides = array<i32>} : memref<8x128xf32, #tpu.memory_space<vmem>>, vector<1x16xf32>,
    %get3A_23 = vector.shape_cast %get3A_22 : vector<1x16xf32> to vector<16xf32>
    %add3A_24 = arith.addf %add3A_18, %get3A_23 : vector<16xf32>
    %get3A_25 = arith.constant 3 : i32
    %get3A_26 = arith.index_cast %get3A_25 : i32 to index
    %get3A_27 = arith.constant 0 : index
    %get3A_28 = tpu.vector_load %arg6[%get3A_26, %get3A_27] {strides = array<i32>} : memref<8x128xf32, #tpu.memory_space<vmem>>, vector<1x16xf32>,
    %get3A_29 = vector.shape_cast %get3A_28 : vector<1x16xf32> to vector<16xf32>
    %add3A_30 = arith.addf %add3A_24, %get3A_29 : vector<16xf32>
    %get3A_31 = arith.constant 4 : i32
    %get3A_32 = arith.index_cast %get3A_31 : i32 to index
    %get3A_33 = arith.constant 0 : index
    %get3A_34 = tpu.vector_load %arg6[%get3A_32, %get3A_33] {strides = array<i32>} : memref<8x128xf32, #tpu.memory_space<vmem>>, vector<1x16xf32>,
    %get3A_35 = vector.shape_cast %get3A_34 : vector<1x16xf32> to vector<16xf32>
    %add3A_36 = arith.addf %add3A_30, %get3A_35 : vector<16xf32>
    %get3A_37 = arith.constant 5 : i32
    %get3A_38 = arith.index_cast %get3A_37 : i32 to index
    %get3A_39 = arith.constant 0 : index
    %get3A_40 = tpu.vector_load %arg6[%get3A_38, %get3A_39] {strides = array<i32>} : memref<8x128xf32, #tpu.memory_space<vmem>>, vector<1x16xf32>,
    %get3A_41 = vector.shape_cast %get3A_40 : vector<1x16xf32> to vector<16xf32>
    %add3A_42 = arith.addf %add3A_36, %get3A_41 : vector<16xf32>
    %get3A_43 = arith.constant 6 : i32
    %get3A_44 = arith.index_cast %get3A_43 : i32 to index
    %get3A_45 = arith.constant 0 : index
    %get3A_46 = tpu.vector_load %arg6[%get3A_44, %get3A_45] {strides = array<i32>} : memref<8x128xf32, #tpu.memory_space<vmem>>, vector<1x16xf32>,
    %get3A_47 = vector.shape_cast %get3A_46 : vector<1x16xf32> to vector<16xf32>
    %add3A_48 = arith.addf %add3A_42, %get3A_47 : vector<16xf32>
    %get3A_49 = arith.constant 7 : i32
    %get3A_50 = arith.index_cast %get3A_49 : i32 to index
    %get3A_51 = arith.constant 0 : index
    %get3A_52 = tpu.vector_load %arg6[%get3A_50, %get3A_51] {strides = array<i32>} : memref<8x128xf32, #tpu.memory_space<vmem>>, vector<1x16xf32>,
    %get3A_53 = vector.shape_cast %get3A_52 : vector<1x16xf32> to vector<16xf32>
    %add3A_54 = arith.addf %add3A_48, %get3A_53 : vector<16xf32>
    %mul3A_55 = vector.broadcast %select_n3A : f32 to vector<16xf32>
    %mul3A_56 = arith.mulf %add3A_54, %mul3A_55 : vector<16xf32>
    %swap3A = arith.constant 0 : index
    %swap3A_57 = tpu.vector_load %arg7[%swap3A] {strides = array<i32>} : memref<128xf32, #tpu.memory_space<vmem>>, vector<16xf32>,
    %swap3A_58 = vector.shape_cast %swap3A_57 : vector<16xf32> to vector<16xf32>
    %swap3A_59 = vector.shape_cast %mul3A_56 : vector<16xf32> to vector<16xf32>
    tpu.vector_store %arg7[%swap3A], %swap3A_59 {strides = array<i32>} : memref<128xf32, #tpu.memory_space<vmem>>, vector<16xf32>,
    %get3A_60 = arith.constant 0 : i32
    %get3A_61 = arith.index_cast %get3A_60 : i32 to index
    %get3A_62 = arith.constant 16 : index
    %get3A_63 = tpu.vector_load %arg6[%get3A_61, %get3A_62] {strides = array<i32>} : memref<8x128xf32, #tpu.memory_space<vmem>>, vector<1x16xf32>,
    %get3A_64 = vector.shape_cast %get3A_63 : vector<1x16xf32> to vector<16xf32>
    %get3A_65 = arith.constant 1 : i32
    %get3A_66 = arith.index_cast %get3A_65 : i32 to index
    %get3A_67 = arith.constant 16 : index
    %get3A_68 = tpu.vector_load %arg6[%get3A_66, %get3A_67] {strides = array<i32>} : memref<8x128xf32, #tpu.memory_space<vmem>>, vector<1x16xf32>,
    %get3A_69 = vector.shape_cast %get3A_68 : vector<1x16xf32> to vector<16xf32>
    %add3A_70 = arith.addf %get3A_64, %get3A_69 : vector<16xf32>
    %get3A_71 = arith.constant 2 : i32
    %get3A_72 = arith.index_cast %get3A_71 : i32 to index
    %get3A_73 = arith.constant 16 : index
    %get3A_74 = tpu.vector_load %arg6[%get3A_72, %get3A_73] {strides = array<i32>} : memref<8x128xf32, #tpu.memory_space<vmem>>, vector<1x16xf32>,
    %get3A_75 = vector.shape_cast %get3A_74 : vector<1x16xf32> to vector<16xf32>
    %add3A_76 = arith.addf %add3A_70, %get3A_75 : vector<16xf32>
    %get3A_77 = arith.constant 3 : i32
    %get3A_78 = arith.index_cast %get3A_77 : i32 to index
    %get3A_79 = arith.constant 16 : index
    %get3A_80 = tpu.vector_load %arg6[%get3A_78, %get3A_79] {strides = array<i32>} : memref<8x128xf32, #tpu.memory_space<vmem>>, vector<1x16xf32>,
    %get3A_81 = vector.shape_cast %get3A_80 : vector<1x16xf32> to vector<16xf32>
    %add3A_82 = arith.addf %add3A_76, %get3A_81 : vector<16xf32>
    %get3A_83 = arith.constant 4 : i32
    %get3A_84 = arith.index_cast %get3A_83 : i32 to index
    %get3A_85 = arith.constant 16 : index
    %get3A_86 = tpu.vector_load %arg6[%get3A_84, %get3A_85] {strides = array<i32>} : memref<8x128xf32, #tpu.memory_space<vmem>>, vector<1x16xf32>,
    %get3A_87 = vector.shape_cast %get3A_86 : vector<1x16xf32> to vector<16xf32>
    %add3A_88 = arith.addf %add3A_82, %get3A_87 : vector<16xf32>
    %get3A_89 = arith.constant 5 : i32
    %get3A_90 = arith.index_cast %get3A_89 : i32 to index
    %get3A_91 = arith.constant 16 : index
    %get3A_92 = tpu.vector_load %arg6[%get3A_90, %get3A_91] {strides = array<i32>} : memref<8x128xf32, #tpu.memory_space<vmem>>, vector<1x16xf32>,
    %get3A_93 = vector.shape_cast %get3A_92 : vector<1x16xf32> to vector<16xf32>
    %add3A_94 = arith.addf %add3A_88, %get3A_93 : vector<16xf32>
    %get3A_95 = arith.constant 6 : i32
    %get3A_96 = arith.index_cast %get3A_95 : i32 to index
    %get3A_97 = arith.constant 16 : index
    %get3A_98 = tpu.vector_load %arg6[%get3A_96, %get3A_97] {strides = array<i32>} : memref<8x128xf32, #tpu.memory_space<vmem>>, vector<1x16xf32>,
    %get3A_99 = vector.shape_cast %get3A_98 : vector<1x16xf32> to vector<16xf32>
    %add3A_100 = arith.addf %add3A_94, %get3A_99 : vector<16xf32>
    %get3A_101 = arith.constant 7 : i32
    %get3A_102 = arith.index_cast %get3A_101 : i32 to index
    %get3A_103 = arith.constant 16 : index
    %get3A_104 = tpu.vector_load %arg6[%get3A_102, %get3A_103] {strides = array<i32>} : memref<8x128xf32, #tpu.memory_space<vmem>>, vector<1x16xf32>,
    %get3A_105 = vector.shape_cast %get3A_104 : vector<1x16xf32> to vector<16xf32>
    %add3A_106 = arith.addf %add3A_100, %get3A_105 : vector<16xf32>
    %mul3A_107 = vector.broadcast %select_n3A : f32 to vector<16xf32>
    %mul3A_108 = arith.mulf %add3A_106, %mul3A_107 : vector<16xf32>
    %swap3A_109 = arith.constant 16 : index
    %swap3A_110 = tpu.vector_load %arg7[%swap3A_109] {strides = array<i32>} : memref<128xf32, #tpu.memory_space<vmem>>, vector<16xf32>,
    %swap3A_111 = vector.shape_cast %swap3A_110 : vector<16xf32> to vector<16xf32>
    %swap3A_112 = vector.shape_cast %mul3A_108 : vector<16xf32> to vector<16xf32>
    tpu.vector_store %arg7[%swap3A_109], %swap3A_112 {strides = array<i32>} : memref<128xf32, #tpu.memory_space<vmem>>, vector<16xf32>,
    %get3A_113 = arith.constant 0 : i32
    %get3A_114 = arith.index_cast %get3A_113 : i32 to index
    %get3A_115 = arith.constant 32 : index
    %get3A_116 = tpu.vector_load %arg6[%get3A_114, %get3A_115] {strides = array<i32>} : memref<8x128xf32, #tpu.memory_space<vmem>>, vector<1x16xf32>,
    %get3A_117 = vector.shape_cast %get3A_116 : vector<1x16xf32> to vector<16xf32>
    %get3A_118 = arith.constant 1 : i32
    %get3A_119 = arith.index_cast %get3A_118 : i32 to index
    %get3A_120 = arith.constant 32 : index
    %get3A_121 = tpu.vector_load %arg6[%get3A_119, %get3A_120] {strides = array<i32>} : memref<8x128xf32, #tpu.memory_space<vmem>>, vector<1x16xf32>,
    %get3A_122 = vector.shape_cast %get3A_121 : vector<1x16xf32> to vector<16xf32>
    %add3A_123 = arith.addf %get3A_117, %get3A_122 : vector<16xf32>
    %get3A_124 = arith.constant 2 : i32
    %get3A_125 = arith.index_cast %get3A_124 : i32 to index
    %get3A_126 = arith.constant 32 : index
    %get3A_127 = tpu.vector_load %arg6[%get3A_125, %get3A_126] {strides = array<i32>} : memref<8x128xf32, #tpu.memory_space<vmem>>, vector<1x16xf32>,
    %get3A_128 = vector.shape_cast %get3A_127 : vector<1x16xf32> to vector<16xf32>
    %add3A_129 = arith.addf %add3A_123, %get3A_128 : vector<16xf32>
    %get3A_130 = arith.constant 3 : i32
    %get3A_131 = arith.index_cast %get3A_130 : i32 to index
    %get3A_132 = arith.constant 32 : index
    %get3A_133 = tpu.vector_load %arg6[%get3A_131, %get3A_132] {strides = array<i32>} : memref<8x128xf32, #tpu.memory_space<vmem>>, vector<1x16xf32>,
    %get3A_134 = vector.shape_cast %get3A_133 : vector<1x16xf32> to vector<16xf32>
    %add3A_135 = arith.addf %add3A_129, %get3A_134 : vector<16xf32>
    %get3A_136 = arith.constant 4 : i32
    %get3A_137 = arith.index_cast %get3A_136 : i32 to index
    %get3A_138 = arith.constant 32 : index
    %get3A_139 = tpu.vector_load %arg6[%get3A_137, %get3A_138] {strides = array<i32>} : memref<8x128xf32, #tpu.memory_space<vmem>>, vector<1x16xf32>,
    %get3A_140 = vector.shape_cast %get3A_139 : vector<1x16xf32> to vector<16xf32>
    %add3A_141 = arith.addf %add3A_135, %get3A_140 : vector<16xf32>
    %get3A_142 = arith.constant 5 : i32
    %get3A_143 = arith.index_cast %get3A_142 : i32 to index
    %get3A_144 = arith.constant 32 : index
    %get3A_145 = tpu.vector_load %arg6[%get3A_143, %get3A_144] {strides = array<i32>} : memref<8x128xf32, #tpu.memory_space<vmem>>, vector<1x16xf32>,
    %get3A_146 = vector.shape_cast %get3A_145 : vector<1x16xf32> to vector<16xf32>
    %add3A_147 = arith.addf %add3A_141, %get3A_146 : vector<16xf32>
    %get3A_148 = arith.constant 6 : i32
    %get3A_149 = arith.index_cast %get3A_148 : i32 to index
    %get3A_150 = arith.constant 32 : index
    %get3A_151 = tpu.vector_load %arg6[%get3A_149, %get3A_150] {strides = array<i32>} : memref<8x128xf32, #tpu.memory_space<vmem>>, vector<1x16xf32>,
    %get3A_152 = vector.shape_cast %get3A_151 : vector<1x16xf32> to vector<16xf32>
    %add3A_153 = arith.addf %add3A_147, %get3A_152 : vector<16xf32>
    %get3A_154 = arith.constant 7 : i32
    %get3A_155 = arith.index_cast %get3A_154 : i32 to index
    %get3A_156 = arith.constant 32 : index
    %get3A_157 = tpu.vector_load %arg6[%get3A_155, %get3A_156] {strides = array<i32>} : memref<8x128xf32, #tpu.memory_space<vmem>>, vector<1x16xf32>,
    %get3A_158 = vector.shape_cast %get3A_157 : vector<1x16xf32> to vector<16xf32>
    %add3A_159 = arith.addf %add3A_153, %get3A_158 : vector<16xf32>
    %mul3A_160 = vector.broadcast %select_n3A : f32 to vector<16xf32>
    %mul3A_161 = arith.mulf %add3A_159, %mul3A_160 : vector<16xf32>
    %swap3A_162 = arith.constant 32 : index
    %swap3A_163 = tpu.vector_load %arg7[%swap3A_162] {strides = array<i32>} : memref<128xf32, #tpu.memory_space<vmem>>, vector<16xf32>,
    %swap3A_164 = vector.shape_cast %swap3A_163 : vector<16xf32> to vector<16xf32>
    %swap3A_165 = vector.shape_cast %mul3A_161 : vector<16xf32> to vector<16xf32>
    tpu.vector_store %arg7[%swap3A_162], %swap3A_165 {strides = array<i32>} : memref<128xf32, #tpu.memory_space<vmem>>, vector<16xf32>,
    %get3A_166 = arith.constant 0 : i32
    %get3A_167 = arith.index_cast %get3A_166 : i32 to index
    %get3A_168 = arith.constant 48 : index
    %get3A_169 = tpu.vector_load %arg6[%get3A_167, %get3A_168] {strides = array<i32>} : memref<8x128xf32, #tpu.memory_space<vmem>>, vector<1x16xf32>,
    %get3A_170 = vector.shape_cast %get3A_169 : vector<1x16xf32> to vector<16xf32>
    %get3A_171 = arith.constant 1 : i32
    %get3A_172 = arith.index_cast %get3A_171 : i32 to index
    %get3A_173 = arith.constant 48 : index
    %get3A_174 = tpu.vector_load %arg6[%get3A_172, %get3A_173] {strides = array<i32>} : memref<8x128xf32, #tpu.memory_space<vmem>>, vector<1x16xf32>,
    %get3A_175 = vector.shape_cast %get3A_174 : vector<1x16xf32> to vector<16xf32>
    %add3A_176 = arith.addf %get3A_170, %get3A_175 : vector<16xf32>
    %get3A_177 = arith.constant 2 : i32
    %get3A_178 = arith.index_cast %get3A_177 : i32 to index
    %get3A_179 = arith.constant 48 : index
    %get3A_180 = tpu.vector_load %arg6[%get3A_178, %get3A_179] {strides = array<i32>} : memref<8x128xf32, #tpu.memory_space<vmem>>, vector<1x16xf32>,
    %get3A_181 = vector.shape_cast %get3A_180 : vector<1x16xf32> to vector<16xf32>
    %add3A_182 = arith.addf %add3A_176, %get3A_181 : vector<16xf32>
    %get3A_183 = arith.constant 3 : i32
    %get3A_184 = arith.index_cast %get3A_183 : i32 to index
    %get3A_185 = arith.constant 48 : index
    %get3A_186 = tpu.vector_load %arg6[%get3A_184, %get3A_185] {strides = array<i32>} : memref<8x128xf32, #tpu.memory_space<vmem>>, vector<1x16xf32>,
    %get3A_187 = vector.shape_cast %get3A_186 : vector<1x16xf32> to vector<16xf32>
    %add3A_188 = arith.addf %add3A_182, %get3A_187 : vector<16xf32>
    %get3A_189 = arith.constant 4 : i32
    %get3A_190 = arith.index_cast %get3A_189 : i32 to index
    %get3A_191 = arith.constant 48 : index
    %get3A_192 = tpu.vector_load %arg6[%get3A_190, %get3A_191] {strides = array<i32>} : memref<8x128xf32, #tpu.memory_space<vmem>>, vector<1x16xf32>,
    %get3A_193 = vector.shape_cast %get3A_192 : vector<1x16xf32> to vector<16xf32>
    %add3A_194 = arith.addf %add3A_188, %get3A_193 : vector<16xf32>
    %get3A_195 = arith.constant 5 : i32
    %get3A_196 = arith.index_cast %get3A_195 : i32 to index
    %get3A_197 = arith.constant 48 : index
    %get3A_198 = tpu.vector_load %arg6[%get3A_196, %get3A_197] {strides = array<i32>} : memref<8x128xf32, #tpu.memory_space<vmem>>, vector<1x16xf32>,
    %get3A_199 = vector.shape_cast %get3A_198 : vector<1x16xf32> to vector<16xf32>
    %add3A_200 = arith.addf %add3A_194, %get3A_199 : vector<16xf32>
    %get3A_201 = arith.constant 6 : i32
    %get3A_202 = arith.index_cast %get3A_201 : i32 to index
    %get3A_203 = arith.constant 48 : index
    %get3A_204 = tpu.vector_load %arg6[%get3A_202, %get3A_203] {strides = array<i32>} : memref<8x128xf32, #tpu.memory_space<vmem>>, vector<1x16xf32>,
    %get3A_205 = vector.shape_cast %get3A_204 : vector<1x16xf32> to vector<16xf32>
    %add3A_206 = arith.addf %add3A_200, %get3A_205 : vector<16xf32>
    %get3A_207 = arith.constant 7 : i32
    %get3A_208 = arith.index_cast %get3A_207 : i32 to index
    %get3A_209 = arith.constant 48 : index
    %get3A_210 = tpu.vector_load %arg6[%get3A_208, %get3A_209] {strides = array<i32>} : memref<8x128xf32, #tpu.memory_space<vmem>>, vector<1x16xf32>,
    %get3A_211 = vector.shape_cast %get3A_210 : vector<1x16xf32> to vector<16xf32>
    %add3A_212 = arith.addf %add3A_206, %get3A_211 : vector<16xf32>
    %mul3A_213 = vector.broadcast %select_n3A : f32 to vector<16xf32>
    %mul3A_214 = arith.mulf %add3A_212, %mul3A_213 : vector<16xf32>
    %swap3A_215 = arith.constant 48 : index
    %swap3A_216 = tpu.vector_load %arg7[%swap3A_215] {strides = array<i32>} : memref<128xf32, #tpu.memory_space<vmem>>, vector<16xf32>,
    %swap3A_217 = vector.shape_cast %swap3A_216 : vector<16xf32> to vector<16xf32>
    %swap3A_218 = vector.shape_cast %mul3A_214 : vector<16xf32> to vector<16xf32>
    tpu.vector_store %arg7[%swap3A_215], %swap3A_218 {strides = array<i32>} : memref<128xf32, #tpu.memory_space<vmem>>, vector<16xf32>,
    %get3A_219 = arith.constant 0 : i32
    %get3A_220 = arith.index_cast %get3A_219 : i32 to index
    %get3A_221 = arith.constant 64 : index
    %get3A_222 = tpu.vector_load %arg6[%get3A_220, %get3A_221] {strides = array<i32>} : memref<8x128xf32, #tpu.memory_space<vmem>>, vector<1x16xf32>,
    %get3A_223 = vector.shape_cast %get3A_222 : vector<1x16xf32> to vector<16xf32>
    %get3A_224 = arith.constant 1 : i32
    %get3A_225 = arith.index_cast %get3A_224 : i32 to index
    %get3A_226 = arith.constant 64 : index
    %get3A_227 = tpu.vector_load %arg6[%get3A_225, %get3A_226] {strides = array<i32>} : memref<8x128xf32, #tpu.memory_space<vmem>>, vector<1x16xf32>,
    %get3A_228 = vector.shape_cast %get3A_227 : vector<1x16xf32> to vector<16xf32>
    %add3A_229 = arith.addf %get3A_223, %get3A_228 : vector<16xf32>
    %get3A_230 = arith.constant 2 : i32
    %get3A_231 = arith.index_cast %get3A_230 : i32 to index
    %get3A_232 = arith.constant 64 : index
    %get3A_233 = tpu.vector_load %arg6[%get3A_231, %get3A_232] {strides = array<i32>} : memref<8x128xf32, #tpu.memory_space<vmem>>, vector<1x16xf32>,
    %get3A_234 = vector.shape_cast %get3A_233 : vector<1x16xf32> to vector<16xf32>
    %add3A_235 = arith.addf %add3A_229, %get3A_234 : vector<16xf32>
    %get3A_236 = arith.constant 3 : i32
    %get3A_237 = arith.index_cast %get3A_236 : i32 to index
    %get3A_238 = arith.constant 64 : index
    %get3A_239 = tpu.vector_load %arg6[%get3A_237, %get3A_238] {strides = array<i32>} : memref<8x128xf32, #tpu.memory_space<vmem>>, vector<1x16xf32>,
    %get3A_240 = vector.shape_cast %get3A_239 : vector<1x16xf32> to vector<16xf32>
    %add3A_241 = arith.addf %add3A_235, %get3A_240 : vector<16xf32>
    %get3A_242 = arith.constant 4 : i32
    %get3A_243 = arith.index_cast %get3A_242 : i32 to index
    %get3A_244 = arith.constant 64 : index
    %get3A_245 = tpu.vector_load %arg6[%get3A_243, %get3A_244] {strides = array<i32>} : memref<8x128xf32, #tpu.memory_space<vmem>>, vector<1x16xf32>,
    %get3A_246 = vector.shape_cast %get3A_245 : vector<1x16xf32> to vector<16xf32>
    %add3A_247 = arith.addf %add3A_241, %get3A_246 : vector<16xf32>
    %get3A_248 = arith.constant 5 : i32
    %get3A_249 = arith.index_cast %get3A_248 : i32 to index
    %get3A_250 = arith.constant 64 : index
    %get3A_251 = tpu.vector_load %arg6[%get3A_249, %get3A_250] {strides = array<i32>} : memref<8x128xf32, #tpu.memory_space<vmem>>, vector<1x16xf32>,
    %get3A_252 = vector.shape_cast %get3A_251 : vector<1x16xf32> to vector<16xf32>
    %add3A_253 = arith.addf %add3A_247, %get3A_252 : vector<16xf32>
    %get3A_254 = arith.constant 6 : i32
    %get3A_255 = arith.index_cast %get3A_254 : i32 to index
    %get3A_256 = arith.constant 64 : index
    %get3A_257 = tpu.vector_load %arg6[%get3A_255, %get3A_256] {strides = array<i32>} : memref<8x128xf32, #tpu.memory_space<vmem>>, vector<1x16xf32>,
    %get3A_258 = vector.shape_cast %get3A_257 : vector<1x16xf32> to vector<16xf32>
    %add3A_259 = arith.addf %add3A_253, %get3A_258 : vector<16xf32>
    %get3A_260 = arith.constant 7 : i32
    %get3A_261 = arith.index_cast %get3A_260 : i32 to index
    %get3A_262 = arith.constant 64 : index
    %get3A_263 = tpu.vector_load %arg6[%get3A_261, %get3A_262] {strides = array<i32>} : memref<8x128xf32, #tpu.memory_space<vmem>>, vector<1x16xf32>,
    %get3A_264 = vector.shape_cast %get3A_263 : vector<1x16xf32> to vector<16xf32>
    %add3A_265 = arith.addf %add3A_259, %get3A_264 : vector<16xf32>
    %mul3A_266 = vector.broadcast %select_n3A : f32 to vector<16xf32>
    %mul3A_267 = arith.mulf %add3A_265, %mul3A_266 : vector<16xf32>
    %swap3A_268 = arith.constant 64 : index
    %swap3A_269 = tpu.vector_load %arg7[%swap3A_268] {strides = array<i32>} : memref<128xf32, #tpu.memory_space<vmem>>, vector<16xf32>,
    %swap3A_270 = vector.shape_cast %swap3A_269 : vector<16xf32> to vector<16xf32>
    %swap3A_271 = vector.shape_cast %mul3A_267 : vector<16xf32> to vector<16xf32>
    tpu.vector_store %arg7[%swap3A_268], %swap3A_271 {strides = array<i32>} : memref<128xf32, #tpu.memory_space<vmem>>, vector<16xf32>,
    %get3A_272 = arith.constant 0 : i32
    %get3A_273 = arith.index_cast %get3A_272 : i32 to index
    %get3A_274 = arith.constant 80 : index
    %get3A_275 = tpu.vector_load %arg6[%get3A_273, %get3A_274] {strides = array<i32>} : memref<8x128xf32, #tpu.memory_space<vmem>>, vector<1x16xf32>,
    %get3A_276 = vector.shape_cast %get3A_275 : vector<1x16xf32> to vector<16xf32>
    %get3A_277 = arith.constant 1 : i32
    %get3A_278 = arith.index_cast %get3A_277 : i32 to index
    %get3A_279 = arith.constant 80 : index
    %get3A_280 = tpu.vector_load %arg6[%get3A_278, %get3A_279] {strides = array<i32>} : memref<8x128xf32, #tpu.memory_space<vmem>>, vector<1x16xf32>,
    %get3A_281 = vector.shape_cast %get3A_280 : vector<1x16xf32> to vector<16xf32>
    %add3A_282 = arith.addf %get3A_276, %get3A_281 : vector<16xf32>
    %get3A_283 = arith.constant 2 : i32
    %get3A_284 = arith.index_cast %get3A_283 : i32 to index
    %get3A_285 = arith.constant 80 : index
    %get3A_286 = tpu.vector_load %arg6[%get3A_284, %get3A_285] {strides = array<i32>} : memref<8x128xf32, #tpu.memory_space<vmem>>, vector<1x16xf32>,
    %get3A_287 = vector.shape_cast %get3A_286 : vector<1x16xf32> to vector<16xf32>
    %add3A_288 = arith.addf %add3A_282, %get3A_287 : vector<16xf32>
    %get3A_289 = arith.constant 3 : i32
    %get3A_290 = arith.index_cast %get3A_289 : i32 to index
    %get3A_291 = arith.constant 80 : index
    %get3A_292 = tpu.vector_load %arg6[%get3A_290, %get3A_291] {strides = array<i32>} : memref<8x128xf32, #tpu.memory_space<vmem>>, vector<1x16xf32>,
    %get3A_293 = vector.shape_cast %get3A_292 : vector<1x16xf32> to vector<16xf32>
    %add3A_294 = arith.addf %add3A_288, %get3A_293 : vector<16xf32>
    %get3A_295 = arith.constant 4 : i32
    %get3A_296 = arith.index_cast %get3A_295 : i32 to index
    %get3A_297 = arith.constant 80 : index
    %get3A_298 = tpu.vector_load %arg6[%get3A_296, %get3A_297] {strides = array<i32>} : memref<8x128xf32, #tpu.memory_space<vmem>>, vector<1x16xf32>,
    %get3A_299 = vector.shape_cast %get3A_298 : vector<1x16xf32> to vector<16xf32>
    %add3A_300 = arith.addf %add3A_294, %get3A_299 : vector<16xf32>
    %get3A_301 = arith.constant 5 : i32
    %get3A_302 = arith.index_cast %get3A_301 : i32 to index
    %get3A_303 = arith.constant 80 : index
    %get3A_304 = tpu.vector_load %arg6[%get3A_302, %get3A_303] {strides = array<i32>} : memref<8x128xf32, #tpu.memory_space<vmem>>, vector<1x16xf32>,
    %get3A_305 = vector.shape_cast %get3A_304 : vector<1x16xf32> to vector<16xf32>
    %add3A_306 = arith.addf %add3A_300, %get3A_305 : vector<16xf32>
    %get3A_307 = arith.constant 6 : i32
    %get3A_308 = arith.index_cast %get3A_307 : i32 to index
    %get3A_309 = arith.constant 80 : index
    %get3A_310 = tpu.vector_load %arg6[%get3A_308, %get3A_309] {strides = array<i32>} : memref<8x128xf32, #tpu.memory_space<vmem>>, vector<1x16xf32>,
    %get3A_311 = vector.shape_cast %get3A_310 : vector<1x16xf32> to vector<16xf32>
    %add3A_312 = arith.addf %add3A_306, %get3A_311 : vector<16xf32>
    %get3A_313 = arith.constant 7 : i32
    %get3A_314 = arith.index_cast %get3A_313 : i32 to index
    %get3A_315 = arith.constant 80 : index
    %get3A_316 = tpu.vector_load %arg6[%get3A_314, %get3A_315] {strides = array<i32>} : memref<8x128xf32, #tpu.memory_space<vmem>>, vector<1x16xf32>,
    %get3A_317 = vector.shape_cast %get3A_316 : vector<1x16xf32> to vector<16xf32>
    %add3A_318 = arith.addf %add3A_312, %get3A_317 : vector<16xf32>
    %mul3A_319 = vector.broadcast %select_n3A : f32 to vector<16xf32>
    %mul3A_320 = arith.mulf %add3A_318, %mul3A_319 : vector<16xf32>
    %swap3A_321 = arith.constant 80 : index
    %swap3A_322 = tpu.vector_load %arg7[%swap3A_321] {strides = array<i32>} : memref<128xf32, #tpu.memory_space<vmem>>, vector<16xf32>,
    %swap3A_323 = vector.shape_cast %swap3A_322 : vector<16xf32> to vector<16xf32>
    %swap3A_324 = vector.shape_cast %mul3A_320 : vector<16xf32> to vector<16xf32>
    tpu.vector_store %arg7[%swap3A_321], %swap3A_324 {strides = array<i32>} : memref<128xf32, #tpu.memory_space<vmem>>, vector<16xf32>,
    %get3A_325 = arith.constant 0 : i32
    %get3A_326 = arith.index_cast %get3A_325 : i32 to index
    %get3A_327 = arith.constant 96 : index
    %get3A_328 = tpu.vector_load %arg6[%get3A_326, %get3A_327] {strides = array<i32>} : memref<8x128xf32, #tpu.memory_space<vmem>>, vector<1x16xf32>,
    %get3A_329 = vector.shape_cast %get3A_328 : vector<1x16xf32> to vector<16xf32>
    %get3A_330 = arith.constant 1 : i32
    %get3A_331 = arith.index_cast %get3A_330 : i32 to index
    %get3A_332 = arith.constant 96 : index
    %get3A_333 = tpu.vector_load %arg6[%get3A_331, %get3A_332] {strides = array<i32>} : memref<8x128xf32, #tpu.memory_space<vmem>>, vector<1x16xf32>,
    %get3A_334 = vector.shape_cast %get3A_333 : vector<1x16xf32> to vector<16xf32>
    %add3A_335 = arith.addf %get3A_329, %get3A_334 : vector<16xf32>
    %get3A_336 = arith.constant 2 : i32
    %get3A_337 = arith.index_cast %get3A_336 : i32 to index
    %get3A_338 = arith.constant 96 : index
    %get3A_339 = tpu.vector_load %arg6[%get3A_337, %get3A_338] {strides = array<i32>} : memref<8x128xf32, #tpu.memory_space<vmem>>, vector<1x16xf32>,
    %get3A_340 = vector.shape_cast %get3A_339 : vector<1x16xf32> to vector<16xf32>
    %add3A_341 = arith.addf %add3A_335, %get3A_340 : vector<16xf32>
    %get3A_342 = arith.constant 3 : i32
    %get3A_343 = arith.index_cast %get3A_342 : i32 to index
    %get3A_344 = arith.constant 96 : index
    %get3A_345 = tpu.vector_load %arg6[%get3A_343, %get3A_344] {strides = array<i32>} : memref<8x128xf32, #tpu.memory_space<vmem>>, vector<1x16xf32>,
    %get3A_346 = vector.shape_cast %get3A_345 : vector<1x16xf32> to vector<16xf32>
    %add3A_347 = arith.addf %add3A_341, %get3A_346 : vector<16xf32>
    %get3A_348 = arith.constant 4 : i32
    %get3A_349 = arith.index_cast %get3A_348 : i32 to index
    %get3A_350 = arith.constant 96 : index
    %get3A_351 = tpu.vector_load %arg6[%get3A_349, %get3A_350] {strides = array<i32>} : memref<8x128xf32, #tpu.memory_space<vmem>>, vector<1x16xf32>,
    %get3A_352 = vector.shape_cast %get3A_351 : vector<1x16xf32> to vector<16xf32>
    %add3A_353 = arith.addf %add3A_347, %get3A_352 : vector<16xf32>
    %get3A_354 = arith.constant 5 : i32
    %get3A_355 = arith.index_cast %get3A_354 : i32 to index
    %get3A_356 = arith.constant 96 : index
    %get3A_357 = tpu.vector_load %arg6[%get3A_355, %get3A_356] {strides = array<i32>} : memref<8x128xf32, #tpu.memory_space<vmem>>, vector<1x16xf32>,
    %get3A_358 = vector.shape_cast %get3A_357 : vector<1x16xf32> to vector<16xf32>
    %add3A_359 = arith.addf %add3A_353, %get3A_358 : vector<16xf32>
    %get3A_360 = arith.constant 6 : i32
    %get3A_361 = arith.index_cast %get3A_360 : i32 to index
    %get3A_362 = arith.constant 96 : index
    %get3A_363 = tpu.vector_load %arg6[%get3A_361, %get3A_362] {strides = array<i32>} : memref<8x128xf32, #tpu.memory_space<vmem>>, vector<1x16xf32>,
    %get3A_364 = vector.shape_cast %get3A_363 : vector<1x16xf32> to vector<16xf32>
    %add3A_365 = arith.addf %add3A_359, %get3A_364 : vector<16xf32>
    %get3A_366 = arith.constant 7 : i32
    %get3A_367 = arith.index_cast %get3A_366 : i32 to index
    %get3A_368 = arith.constant 96 : index
    %get3A_369 = tpu.vector_load %arg6[%get3A_367, %get3A_368] {strides = array<i32>} : memref<8x128xf32, #tpu.memory_space<vmem>>, vector<1x16xf32>,
    %get3A_370 = vector.shape_cast %get3A_369 : vector<1x16xf32> to vector<16xf32>
    %add3A_371 = arith.addf %add3A_365, %get3A_370 : vector<16xf32>
    %mul3A_372 = vector.broadcast %select_n3A : f32 to vector<16xf32>
    %mul3A_373 = arith.mulf %add3A_371, %mul3A_372 : vector<16xf32>
    %swap3A_374 = arith.constant 96 : index
    %swap3A_375 = tpu.vector_load %arg7[%swap3A_374] {strides = array<i32>} : memref<128xf32, #tpu.memory_space<vmem>>, vector<16xf32>,
    %swap3A_376 = vector.shape_cast %swap3A_375 : vector<16xf32> to vector<16xf32>
    %swap3A_377 = vector.shape_cast %mul3A_373 : vector<16xf32> to vector<16xf32>
    tpu.vector_store %arg7[%swap3A_374], %swap3A_377 {strides = array<i32>} : memref<128xf32, #tpu.memory_space<vmem>>, vector<16xf32>,
    %get3A_378 = arith.constant 0 : i32
    %get3A_379 = arith.index_cast %get3A_378 : i32 to index
    %get3A_380 = arith.constant 112 : index
    %get3A_381 = tpu.vector_load %arg6[%get3A_379, %get3A_380] {strides = array<i32>} : memref<8x128xf32, #tpu.memory_space<vmem>>, vector<1x16xf32>,
    %get3A_382 = vector.shape_cast %get3A_381 : vector<1x16xf32> to vector<16xf32>
    %get3A_383 = arith.constant 1 : i32
    %get3A_384 = arith.index_cast %get3A_383 : i32 to index
    %get3A_385 = arith.constant 112 : index
    %get3A_386 = tpu.vector_load %arg6[%get3A_384, %get3A_385] {strides = array<i32>} : memref<8x128xf32, #tpu.memory_space<vmem>>, vector<1x16xf32>,
    %get3A_387 = vector.shape_cast %get3A_386 : vector<1x16xf32> to vector<16xf32>
    %add3A_388 = arith.addf %get3A_382, %get3A_387 : vector<16xf32>
    %get3A_389 = arith.constant 2 : i32
    %get3A_390 = arith.index_cast %get3A_389 : i32 to index
    %get3A_391 = arith.constant 112 : index
    %get3A_392 = tpu.vector_load %arg6[%get3A_390, %get3A_391] {strides = array<i32>} : memref<8x128xf32, #tpu.memory_space<vmem>>, vector<1x16xf32>,
    %get3A_393 = vector.shape_cast %get3A_392 : vector<1x16xf32> to vector<16xf32>
    %add3A_394 = arith.addf %add3A_388, %get3A_393 : vector<16xf32>
    %get3A_395 = arith.constant 3 : i32
    %get3A_396 = arith.index_cast %get3A_395 : i32 to index
    %get3A_397 = arith.constant 112 : index
    %get3A_398 = tpu.vector_load %arg6[%get3A_396, %get3A_397] {strides = array<i32>} : memref<8x128xf32, #tpu.memory_space<vmem>>, vector<1x16xf32>,
    %get3A_399 = vector.shape_cast %get3A_398 : vector<1x16xf32> to vector<16xf32>
    %add3A_400 = arith.addf %add3A_394, %get3A_399 : vector<16xf32>
    %get3A_401 = arith.constant 4 : i32
    %get3A_402 = arith.index_cast %get3A_401 : i32 to index
    %get3A_403 = arith.constant 112 : index
    %get3A_404 = tpu.vector_load %arg6[%get3A_402, %get3A_403] {strides = array<i32>} : memref<8x128xf32, #tpu.memory_space<vmem>>, vector<1x16xf32>,
    %get3A_405 = vector.shape_cast %get3A_404 : vector<1x16xf32> to vector<16xf32>
    %add3A_406 = arith.addf %add3A_400, %get3A_405 : vector<16xf32>
    %get3A_407 = arith.constant 5 : i32
    %get3A_408 = arith.index_cast %get3A_407 : i32 to index
    %get3A_409 = arith.constant 112 : index
    %get3A_410 = tpu.vector_load %arg6[%get3A_408, %get3A_409] {strides = array<i32>} : memref<8x128xf32, #tpu.memory_space<vmem>>, vector<1x16xf32>,
    %get3A_411 = vector.shape_cast %get3A_410 : vector<1x16xf32> to vector<16xf32>
    %add3A_412 = arith.addf %add3A_406, %get3A_411 : vector<16xf32>
    %get3A_413 = arith.constant 6 : i32
    %get3A_414 = arith.index_cast %get3A_413 : i32 to index
    %get3A_415 = arith.constant 112 : index
    %get3A_416 = tpu.vector_load %arg6[%get3A_414, %get3A_415] {strides = array<i32>} : memref<8x128xf32, #tpu.memory_space<vmem>>, vector<1x16xf32>,
    %get3A_417 = vector.shape_cast %get3A_416 : vector<1x16xf32> to vector<16xf32>
    %add3A_418 = arith.addf %add3A_412, %get3A_417 : vector<16xf32>
    %get3A_419 = arith.constant 7 : i32
    %get3A_420 = arith.index_cast %get3A_419 : i32 to index
    %get3A_421 = arith.constant 112 : index
    %get3A_422 = tpu.vector_load %arg6[%get3A_420, %get3A_421] {strides = array<i32>} : memref<8x128xf32, #tpu.memory_space<vmem>>, vector<1x16xf32>,
    %get3A_423 = vector.shape_cast %get3A_422 : vector<1x16xf32> to vector<16xf32>
    %add3A_424 = arith.addf %add3A_418, %get3A_423 : vector<16xf32>
    %mul3A_425 = vector.broadcast %select_n3A : f32 to vector<16xf32>
    %mul3A_426 = arith.mulf %add3A_424, %mul3A_425 : vector<16xf32>
    %swap3A_427 = arith.constant 112 : index
    %swap3A_428 = tpu.vector_load %arg7[%swap3A_427] {strides = array<i32>} : memref<128xf32, #tpu.memory_space<vmem>>, vector<16xf32>,
    %swap3A_429 = vector.shape_cast %swap3A_428 : vector<16xf32> to vector<16xf32>
    %swap3A_430 = vector.shape_cast %mul3A_426 : vector<16xf32> to vector<16xf32>
    tpu.vector_store %arg7[%swap3A_427], %swap3A_430 {strides = array<i32>} : memref<128xf32, #tpu.memory_space<vmem>>, vector<16xf32>,
    "tpu.region"() ({
      %run_scoped3A = tpu.sem_alloc : memref<!tpu.dma_semaphore, #tpu.memory_space<semaphore_mem>>
      %dma_start3A_431 = arith.constant 0 : i32
      %dma_start3A_432 = tpu.memref_slice %arg4[%add3A, %dma_start3A_431] : memref<32x128xf32, #tpu.memory_space<hbm>> -> memref<1x128xf32, #tpu.memory_space<hbm>>
      %dma_start3A_433 = tpu.memref_squeeze %dma_start3A_432 : memref<1x128xf32, #tpu.memory_space<hbm>> -> memref<128xf32, #tpu.memory_space<hbm>>
      %dma_start3A_434 = arith.constant 0 : i32
      %dma_start3A_435 = tpu.memref_slice %arg4[%add3A, %dma_start3A_434] : memref<32x128xf32, #tpu.memory_space<hbm>> -> memref<1x128xf32, #tpu.memory_space<hbm>>
      %dma_start3A_436 = tpu.memref_squeeze %dma_start3A_435 : memref<1x128xf32, #tpu.memory_space<hbm>> -> memref<128xf32, #tpu.memory_space<hbm>>
      tpu.enqueue_dma source(%arg7 : memref<128xf32, #tpu.memory_space<vmem>>) target(%dma_start3A_436 : memref<128xf32, #tpu.memory_space<hbm>>) target_semaphore(%run_scoped3A : memref<!tpu.dma_semaphore, #tpu.memory_space<semaphore_mem>>)
      %dma_wait3A_437 = arith.constant 0 : i32
      %dma_wait3A_438 = tpu.memref_slice %arg4[%add3A, %dma_wait3A_437] : memref<32x128xf32, #tpu.memory_space<hbm>> -> memref<1x128xf32, #tpu.memory_space<hbm>>
      %dma_wait3A_439 = tpu.memref_squeeze %dma_wait3A_438 : memref<1x128xf32, #tpu.memory_space<hbm>> -> memref<128xf32, #tpu.memory_space<hbm>>
      %dma_wait3A_440 = arith.constant 0 : i32
      %dma_wait3A_441 = tpu.memref_slice %arg4[%add3A, %dma_wait3A_440] : memref<32x128xf32, #tpu.memory_space<hbm>> -> memref<1x128xf32, #tpu.memory_space<hbm>>
      %dma_wait3A_442 = tpu.memref_squeeze %dma_wait3A_441 : memref<1x128xf32, #tpu.memory_space<hbm>> -> memref<128xf32, #tpu.memory_space<hbm>>
      tpu.wait_dma2 semaphore(%run_scoped3A : memref<!tpu.dma_semaphore, #tpu.memory_space<semaphore_mem>>) src(%arg7 : memref<128xf32, #tpu.memory_space<vmem>>) dst(%dma_wait3A_442 : memref<128xf32, #tpu.memory_space<hbm>>)
      tpu.yield
    }) : () -> ()
    return
  }
}

module attributes {stable_mosaic.version = 14 : i64} {
  func.func @_main_body(%arg0: memref<32x128xf32, #tpu.memory_space<vmem>>, %arg1: memref<1000000x128xf32, #tpu.memory_space<any>>, %arg2: memref<200x1x5000xf32, #tpu.memory_space<any>>, %arg3: memref<4x5000x128xf32, #tpu.memory_space<vmem>>, %arg4: memref<1x5000xf32, #tpu.memory_space<vmem>>, %arg5: memref<200x1x5000xf32, #tpu.memory_space<vmem>>, %arg6: memref<200x1x5000xf32, #tpu.memory_space<vmem>>, %arg7: memref<4x!tpu.dma_semaphore, #tpu.memory_space<semaphore_mem>>, %arg8: memref<!tpu.dma_semaphore, #tpu.memory_space<semaphore_mem>>) attributes {dimension_semantics = [], scalar_prefetch = 0 : i64, scratch_operands = 6 : i64, tpu.core_type = #tpu.core_type<tc>} {
    %dma_start3A = arith.constant 0 : i32
    %dma_start3A_0 = arith.constant 0 : i32
    %dma_start3A_1 = tpu.memref_slice %arg7[%dma_start3A_0] : memref<4x!tpu.dma_semaphore, #tpu.memory_space<semaphore_mem>> -> memref<1x!tpu.dma_semaphore, #tpu.memory_space<semaphore_mem>>
    %dma_start3A_2 = tpu.memref_squeeze %dma_start3A_1 : memref<1x!tpu.dma_semaphore, #tpu.memory_space<semaphore_mem>> -> memref<!tpu.dma_semaphore, #tpu.memory_space<semaphore_mem>>
    %dma_start3A_3 = arith.constant 0 : i32
    %dma_start3A_4 = arith.constant 0 : i32
    %dma_start3A_5 = tpu.memref_slice %arg3[%dma_start3A, %dma_start3A_3, %dma_start3A_4] : memref<4x5000x128xf32, #tpu.memory_space<vmem>> -> memref<1x5000x128xf32, #tpu.memory_space<vmem>>
    %dma_start3A_6 = tpu.memref_squeeze %dma_start3A_5 : memref<1x5000x128xf32, #tpu.memory_space<vmem>> -> memref<5000x128xf32, #tpu.memory_space<vmem>>
    %dma_start3A_7 = arith.constant 0 : i32
    %dma_start3A_8 = arith.constant 0 : i32
    %dma_start3A_9 = tpu.memref_slice %arg1[%dma_start3A_7, %dma_start3A_8] : memref<1000000x128xf32, #tpu.memory_space<any>> -> memref<5000x128xf32, #tpu.memory_space<any>>
    tpu.enqueue_dma source(%dma_start3A_9 : memref<5000x128xf32, #tpu.memory_space<any>>) target(%dma_start3A_6 : memref<5000x128xf32, #tpu.memory_space<vmem>>) target_semaphore(%dma_start3A_2 : memref<!tpu.dma_semaphore, #tpu.memory_space<semaphore_mem>>)
    %dma_start3A_10 = arith.constant 1 : i32
    %dma_start3A_11 = arith.constant 1 : i32
    %dma_start3A_12 = tpu.memref_slice %arg7[%dma_start3A_11] : memref<4x!tpu.dma_semaphore, #tpu.memory_space<semaphore_mem>> -> memref<1x!tpu.dma_semaphore, #tpu.memory_space<semaphore_mem>>
    %dma_start3A_13 = tpu.memref_squeeze %dma_start3A_12 : memref<1x!tpu.dma_semaphore, #tpu.memory_space<semaphore_mem>> -> memref<!tpu.dma_semaphore, #tpu.memory_space<semaphore_mem>>
    %dma_start3A_14 = arith.constant 0 : i32
    %dma_start3A_15 = arith.constant 0 : i32
    %dma_start3A_16 = tpu.memref_slice %arg3[%dma_start3A_10, %dma_start3A_14, %dma_start3A_15] : memref<4x5000x128xf32, #tpu.memory_space<vmem>> -> memref<1x5000x128xf32, #tpu.memory_space<vmem>>
    %dma_start3A_17 = tpu.memref_squeeze %dma_start3A_16 : memref<1x5000x128xf32, #tpu.memory_space<vmem>> -> memref<5000x128xf32, #tpu.memory_space<vmem>>
    %dma_start3A_18 = arith.constant 5000 : i32
    %dma_start3A_19 = arith.constant 0 : i32
    %dma_start3A_20 = tpu.memref_slice %arg1[%dma_start3A_18, %dma_start3A_19] : memref<1000000x128xf32, #tpu.memory_space<any>> -> memref<5000x128xf32, #tpu.memory_space<any>>
    tpu.enqueue_dma source(%dma_start3A_20 : memref<5000x128xf32, #tpu.memory_space<any>>) target(%dma_start3A_17 : memref<5000x128xf32, #tpu.memory_space<vmem>>) target_semaphore(%dma_start3A_13 : memref<!tpu.dma_semaphore, #tpu.memory_space<semaphore_mem>>)
    %dma_start3A_21 = arith.constant 2 : i32
    %dma_start3A_22 = arith.constant 2 : i32
    %dma_start3A_23 = tpu.memref_slice %arg7[%dma_start3A_22] : memref<4x!tpu.dma_semaphore, #tpu.memory_space<semaphore_mem>> -> memref<1x!tpu.dma_semaphore, #tpu.memory_space<semaphore_mem>>
    %dma_start3A_24 = tpu.memref_squeeze %dma_start3A_23 : memref<1x!tpu.dma_semaphore, #tpu.memory_space<semaphore_mem>> -> memref<!tpu.dma_semaphore, #tpu.memory_space<semaphore_mem>>
    %dma_start3A_25 = arith.constant 0 : i32
    %dma_start3A_26 = arith.constant 0 : i32
    %dma_start3A_27 = tpu.memref_slice %arg3[%dma_start3A_21, %dma_start3A_25, %dma_start3A_26] : memref<4x5000x128xf32, #tpu.memory_space<vmem>> -> memref<1x5000x128xf32, #tpu.memory_space<vmem>>
    %dma_start3A_28 = tpu.memref_squeeze %dma_start3A_27 : memref<1x5000x128xf32, #tpu.memory_space<vmem>> -> memref<5000x128xf32, #tpu.memory_space<vmem>>
    %dma_start3A_29 = arith.constant 10000 : i32
    %dma_start3A_30 = arith.constant 0 : i32
    %dma_start3A_31 = tpu.memref_slice %arg1[%dma_start3A_29, %dma_start3A_30] : memref<1000000x128xf32, #tpu.memory_space<any>> -> memref<5000x128xf32, #tpu.memory_space<any>>
    tpu.enqueue_dma source(%dma_start3A_31 : memref<5000x128xf32, #tpu.memory_space<any>>) target(%dma_start3A_28 : memref<5000x128xf32, #tpu.memory_space<vmem>>) target_semaphore(%dma_start3A_24 : memref<!tpu.dma_semaphore, #tpu.memory_space<semaphore_mem>>)
    %dma_start3A_32 = arith.constant 3 : i32
    %dma_start3A_33 = arith.constant 3 : i32
    %dma_start3A_34 = tpu.memref_slice %arg7[%dma_start3A_33] : memref<4x!tpu.dma_semaphore, #tpu.memory_space<semaphore_mem>> -> memref<1x!tpu.dma_semaphore, #tpu.memory_space<semaphore_mem>>
    %dma_start3A_35 = tpu.memref_squeeze %dma_start3A_34 : memref<1x!tpu.dma_semaphore, #tpu.memory_space<semaphore_mem>> -> memref<!tpu.dma_semaphore, #tpu.memory_space<semaphore_mem>>
    %dma_start3A_36 = arith.constant 0 : i32
    %dma_start3A_37 = arith.constant 0 : i32
    %dma_start3A_38 = tpu.memref_slice %arg3[%dma_start3A_32, %dma_start3A_36, %dma_start3A_37] : memref<4x5000x128xf32, #tpu.memory_space<vmem>> -> memref<1x5000x128xf32, #tpu.memory_space<vmem>>
    %dma_start3A_39 = tpu.memref_squeeze %dma_start3A_38 : memref<1x5000x128xf32, #tpu.memory_space<vmem>> -> memref<5000x128xf32, #tpu.memory_space<vmem>>
    %dma_start3A_40 = arith.constant 15000 : i32
    %dma_start3A_41 = arith.constant 0 : i32
    %dma_start3A_42 = tpu.memref_slice %arg1[%dma_start3A_40, %dma_start3A_41] : memref<1000000x128xf32, #tpu.memory_space<any>> -> memref<5000x128xf32, #tpu.memory_space<any>>
    tpu.enqueue_dma source(%dma_start3A_42 : memref<5000x128xf32, #tpu.memory_space<any>>) target(%dma_start3A_39 : memref<5000x128xf32, #tpu.memory_space<vmem>>) target_semaphore(%dma_start3A_35 : memref<!tpu.dma_semaphore, #tpu.memory_space<semaphore_mem>>)
    %get3A = arith.constant 0 : index
    %get3A_43 = arith.constant 0 : index
    %get3A_44 = vector.load %arg0[%get3A, %get3A_43] : memref<32x128xf32, #tpu.memory_space<vmem>>, vector<32x128xf32>
    %reduce_sum3A = arith.constant dense<0.000000e+00> : vector<128xf32>
    %reduce_sum3A_45 = vector.multi_reduction <add>, %get3A_44, %reduce_sum3A [0] : vector<32x128xf32> to vector<128xf32>
    %broadcast_in_dim3A = vector.shape_cast %reduce_sum3A_45 : vector<128xf32> to vector<1x128xf32>
    %broadcast_in_dim3A_46 = arith.constant 0xFF800000 : f32
    %broadcast_in_dim3A_47 = vector.broadcast %broadcast_in_dim3A_46 : f32 to vector<1x5000xf32>
    %swap3A = arith.constant 0 : index
    %swap3A_48 = arith.constant 0 : index
    %swap3A_49 = vector.load %arg4[%swap3A, %swap3A_48] : memref<1x5000xf32, #tpu.memory_space<vmem>>, vector<1x5000xf32>
    tpu.vector_store %arg4[%swap3A, %swap3A_48], %broadcast_in_dim3A_47 {strides = array<i32>} : memref<1x5000xf32, #tpu.memory_space<vmem>>, vector<1x5000xf32>,
    %scan3A = arith.constant 0 : i32
    %scan3A_50 = arith.constant 50 : i32
    %scan3A_51 = arith.addi %scan3A, %scan3A_50 : i32
    %scan3A_52 = arith.constant 1 : i32
    scf.for %scan3A_81 = %scan3A to %scan3A_51 step %scan3A_52  : i32 {
      %mul3A = arith.constant 4 : i32
      %mul3A_82 = arith.muli %scan3A_81, %mul3A : i32
      %add3A_83 = arith.constant 0 : i32
      %add3A_84 = arith.addi %mul3A_82, %add3A_83 : i32
      %mul3A_85 = arith.constant 5000 : i32
      %mul3A_86 = arith.muli %add3A_84, %mul3A_85 : i32
      %dma_wait3A = arith.constant 0 : i32
      %dma_wait3A_87 = arith.constant 0 : i32
      %dma_wait3A_88 = tpu.memref_slice %arg7[%dma_wait3A_87] : memref<4x!tpu.dma_semaphore, #tpu.memory_space<semaphore_mem>> -> memref<1x!tpu.dma_semaphore, #tpu.memory_space<semaphore_mem>>
      %dma_wait3A_89 = tpu.memref_squeeze %dma_wait3A_88 : memref<1x!tpu.dma_semaphore, #tpu.memory_space<semaphore_mem>> -> memref<!tpu.dma_semaphore, #tpu.memory_space<semaphore_mem>>
      %dma_wait3A_90 = arith.constant 0 : i32
      %dma_wait3A_91 = arith.constant 0 : i32
      %dma_wait3A_92 = tpu.memref_slice %arg3[%dma_wait3A, %dma_wait3A_90, %dma_wait3A_91] : memref<4x5000x128xf32, #tpu.memory_space<vmem>> -> memref<1x5000x128xf32, #tpu.memory_space<vmem>>
      %dma_wait3A_93 = tpu.memref_squeeze %dma_wait3A_92 : memref<1x5000x128xf32, #tpu.memory_space<vmem>> -> memref<5000x128xf32, #tpu.memory_space<vmem>>
      %dma_wait3A_94 = arith.constant 0 : i32
      %dma_wait3A_95 = tpu.memref_slice %arg1[%mul3A_86, %dma_wait3A_94] : memref<1000000x128xf32, #tpu.memory_space<any>> -> memref<5000x128xf32, #tpu.memory_space<any>>
      tpu.wait_dma2 semaphore(%dma_wait3A_89 : memref<!tpu.dma_semaphore, #tpu.memory_space<semaphore_mem>>) src(%dma_wait3A_95 : memref<5000x128xf32, #tpu.memory_space<any>>) dst(%dma_wait3A_93 : memref<5000x128xf32, #tpu.memory_space<vmem>>)
      %get3A_96 = arith.constant 0 : index
      %get3A_97 = arith.constant 0 : index
      %get3A_98 = arith.constant 0 : index
      %get3A_99 = vector.load %arg3[%get3A_96, %get3A_97, %get3A_98] : memref<4x5000x128xf32, #tpu.memory_space<vmem>>, vector<1x5000x128xf32>
      %get3A_100 = vector.shape_cast %get3A_99 : vector<1x5000x128xf32> to vector<5000x128xf32>
      %dot_general3A = arith.constant dense<0.000000e+00> : vector<1x5000xf32>
      %dot_general3A_101 = tpu.matmul %broadcast_in_dim3A, %get3A_100, %dot_general3A {dimension_numbers = #tpu.dot_dimension_numbers<[1], [1], [0], [0], [0, 0, 1, 0], [], []>, transpose_lhs_hint = false} : vector<1x128xf32>, vector<5000x128xf32>, vector<1x5000xf32> -> vector<1x5000xf32>
      %add3A_102 = arith.constant 4 : i32
      %add3A_103 = arith.addi %add3A_84, %add3A_102 : i32
      %lt3A = arith.constant 200 : i32
      %lt3A_104 = arith.cmpi slt, %add3A_103, %lt3A : i32
      %convert_element_type3A = arith.extui %lt3A_104 : i1 to i32
      %cond3A = arith.constant 0 : i32
      %cond3A_105 = arith.cmpi ne, %convert_element_type3A, %cond3A : i32
      scf.if %cond3A_105 {
        %mul3A_242 = arith.constant 5000 : i32
        %mul3A_243 = arith.muli %add3A_103, %mul3A_242 : i32
        %dma_start3A_244 = arith.constant 0 : i32
        %dma_start3A_245 = arith.constant 0 : i32
        %dma_start3A_246 = tpu.memref_slice %arg7[%dma_start3A_245] : memref<4x!tpu.dma_semaphore, #tpu.memory_space<semaphore_mem>> -> memref<1x!tpu.dma_semaphore, #tpu.memory_space<semaphore_mem>>
        %dma_start3A_247 = tpu.memref_squeeze %dma_start3A_246 : memref<1x!tpu.dma_semaphore, #tpu.memory_space<semaphore_mem>> -> memref<!tpu.dma_semaphore, #tpu.memory_space<semaphore_mem>>
        %dma_start3A_248 = arith.constant 0 : i32
        %dma_start3A_249 = arith.constant 0 : i32
        %dma_start3A_250 = tpu.memref_slice %arg3[%dma_start3A_244, %dma_start3A_248, %dma_start3A_249] : memref<4x5000x128xf32, #tpu.memory_space<vmem>> -> memref<1x5000x128xf32, #tpu.memory_space<vmem>>
        %dma_start3A_251 = tpu.memref_squeeze %dma_start3A_250 : memref<1x5000x128xf32, #tpu.memory_space<vmem>> -> memref<5000x128xf32, #tpu.memory_space<vmem>>
        %dma_start3A_252 = arith.constant 0 : i32
        %dma_start3A_253 = tpu.memref_slice %arg1[%mul3A_243, %dma_start3A_252] : memref<1000000x128xf32, #tpu.memory_space<any>> -> memref<5000x128xf32, #tpu.memory_space<any>>
        tpu.enqueue_dma source(%dma_start3A_253 : memref<5000x128xf32, #tpu.memory_space<any>>) target(%dma_start3A_251 : memref<5000x128xf32, #tpu.memory_space<vmem>>) target_semaphore(%dma_start3A_247 : memref<!tpu.dma_semaphore, #tpu.memory_space<semaphore_mem>>)
      } else {
      }
      %reshape3A = vector.shape_cast %dot_general3A_101 : vector<1x5000xf32> to vector<1x1x5000xf32>
      %swap3A_106 = arith.index_cast %add3A_84 : i32 to index
      %swap3A_107 = arith.constant 0 : index
      %swap3A_108 = arith.constant 0 : index
      %swap3A_109 = vector.load %arg5[%swap3A_106, %swap3A_107, %swap3A_108] : memref<200x1x5000xf32, #tpu.memory_space<vmem>>, vector<1x1x5000xf32>
      tpu.vector_store %arg5[%swap3A_106, %swap3A_107, %swap3A_108], %reshape3A {strides = array<i32>} : memref<200x1x5000xf32, #tpu.memory_space<vmem>>, vector<1x1x5000xf32>,
      %get3A_110 = arith.constant 0 : index
      %get3A_111 = arith.constant 0 : index
      %get3A_112 = vector.load %arg4[%get3A_110, %get3A_111] : memref<1x5000xf32, #tpu.memory_space<vmem>>, vector<1x5000xf32>
      %max3A = arith.maximumf %get3A_112, %dot_general3A_101 : vector<1x5000xf32>
      %swap3A_113 = arith.constant 0 : index
      %swap3A_114 = arith.constant 0 : index
      %swap3A_115 = vector.load %arg4[%swap3A_113, %swap3A_114] : memref<1x5000xf32, #tpu.memory_space<vmem>>, vector<1x5000xf32>
      tpu.vector_store %arg4[%swap3A_113, %swap3A_114], %max3A {strides = array<i32>} : memref<1x5000xf32, #tpu.memory_space<vmem>>, vector<1x5000xf32>,
      %mul3A_116 = arith.constant 4 : i32
      %mul3A_117 = arith.muli %scan3A_81, %mul3A_116 : i32
      %add3A_118 = arith.constant 1 : i32
      %add3A_119 = arith.addi %mul3A_117, %add3A_118 : i32
      %mul3A_120 = arith.constant 5000 : i32
      %mul3A_121 = arith.muli %add3A_119, %mul3A_120 : i32
      %dma_wait3A_122 = arith.constant 1 : i32
      %dma_wait3A_123 = arith.constant 1 : i32
      %dma_wait3A_124 = tpu.memref_slice %arg7[%dma_wait3A_123] : memref<4x!tpu.dma_semaphore, #tpu.memory_space<semaphore_mem>> -> memref<1x!tpu.dma_semaphore, #tpu.memory_space<semaphore_mem>>
      %dma_wait3A_125 = tpu.memref_squeeze %dma_wait3A_124 : memref<1x!tpu.dma_semaphore, #tpu.memory_space<semaphore_mem>> -> memref<!tpu.dma_semaphore, #tpu.memory_space<semaphore_mem>>
      %dma_wait3A_126 = arith.constant 0 : i32
      %dma_wait3A_127 = arith.constant 0 : i32
      %dma_wait3A_128 = tpu.memref_slice %arg3[%dma_wait3A_122, %dma_wait3A_126, %dma_wait3A_127] : memref<4x5000x128xf32, #tpu.memory_space<vmem>> -> memref<1x5000x128xf32, #tpu.memory_space<vmem>>
      %dma_wait3A_129 = tpu.memref_squeeze %dma_wait3A_128 : memref<1x5000x128xf32, #tpu.memory_space<vmem>> -> memref<5000x128xf32, #tpu.memory_space<vmem>>
      %dma_wait3A_130 = arith.constant 0 : i32
      %dma_wait3A_131 = tpu.memref_slice %arg1[%mul3A_121, %dma_wait3A_130] : memref<1000000x128xf32, #tpu.memory_space<any>> -> memref<5000x128xf32, #tpu.memory_space<any>>
      tpu.wait_dma2 semaphore(%dma_wait3A_125 : memref<!tpu.dma_semaphore, #tpu.memory_space<semaphore_mem>>) src(%dma_wait3A_131 : memref<5000x128xf32, #tpu.memory_space<any>>) dst(%dma_wait3A_129 : memref<5000x128xf32, #tpu.memory_space<vmem>>)
      %get3A_132 = arith.constant 1 : index
      %get3A_133 = arith.constant 0 : index
      %get3A_134 = arith.constant 0 : index
      %get3A_135 = vector.load %arg3[%get3A_132, %get3A_133, %get3A_134] : memref<4x5000x128xf32, #tpu.memory_space<vmem>>, vector<1x5000x128xf32>
      %get3A_136 = vector.shape_cast %get3A_135 : vector<1x5000x128xf32> to vector<5000x128xf32>
      %dot_general3A_137 = arith.constant dense<0.000000e+00> : vector<1x5000xf32>
      %dot_general3A_138 = tpu.matmul %broadcast_in_dim3A, %get3A_136, %dot_general3A_137 {dimension_numbers = #tpu.dot_dimension_numbers<[1], [1], [0], [0], [0, 0, 1, 0], [], []>, transpose_lhs_hint = false} : vector<1x128xf32>, vector<5000x128xf32>, vector<1x5000xf32> -> vector<1x5000xf32>
      %add3A_139 = arith.constant 4 : i32
      %add3A_140 = arith.addi %add3A_119, %add3A_139 : i32
      %lt3A_141 = arith.constant 200 : i32
      %lt3A_142 = arith.cmpi slt, %add3A_140, %lt3A_141 : i32
      %convert_element_type3A_143 = arith.extui %lt3A_142 : i1 to i32
      %cond3A_144 = arith.constant 0 : i32
      %cond3A_145 = arith.cmpi ne, %convert_element_type3A_143, %cond3A_144 : i32
      scf.if %cond3A_145 {
        %mul3A_242 = arith.constant 5000 : i32
        %mul3A_243 = arith.muli %add3A_140, %mul3A_242 : i32
        %dma_start3A_244 = arith.constant 1 : i32
        %dma_start3A_245 = arith.constant 1 : i32
        %dma_start3A_246 = tpu.memref_slice %arg7[%dma_start3A_245] : memref<4x!tpu.dma_semaphore, #tpu.memory_space<semaphore_mem>> -> memref<1x!tpu.dma_semaphore, #tpu.memory_space<semaphore_mem>>
        %dma_start3A_247 = tpu.memref_squeeze %dma_start3A_246 : memref<1x!tpu.dma_semaphore, #tpu.memory_space<semaphore_mem>> -> memref<!tpu.dma_semaphore, #tpu.memory_space<semaphore_mem>>
        %dma_start3A_248 = arith.constant 0 : i32
        %dma_start3A_249 = arith.constant 0 : i32
        %dma_start3A_250 = tpu.memref_slice %arg3[%dma_start3A_244, %dma_start3A_248, %dma_start3A_249] : memref<4x5000x128xf32, #tpu.memory_space<vmem>> -> memref<1x5000x128xf32, #tpu.memory_space<vmem>>
        %dma_start3A_251 = tpu.memref_squeeze %dma_start3A_250 : memref<1x5000x128xf32, #tpu.memory_space<vmem>> -> memref<5000x128xf32, #tpu.memory_space<vmem>>
        %dma_start3A_252 = arith.constant 0 : i32
        %dma_start3A_253 = tpu.memref_slice %arg1[%mul3A_243, %dma_start3A_252] : memref<1000000x128xf32, #tpu.memory_space<any>> -> memref<5000x128xf32, #tpu.memory_space<any>>
        tpu.enqueue_dma source(%dma_start3A_253 : memref<5000x128xf32, #tpu.memory_space<any>>) target(%dma_start3A_251 : memref<5000x128xf32, #tpu.memory_space<vmem>>) target_semaphore(%dma_start3A_247 : memref<!tpu.dma_semaphore, #tpu.memory_space<semaphore_mem>>)
      } else {
      }
      %reshape3A_146 = vector.shape_cast %dot_general3A_138 : vector<1x5000xf32> to vector<1x1x5000xf32>
      %swap3A_147 = arith.index_cast %add3A_119 : i32 to index
      %swap3A_148 = arith.constant 0 : index
      %swap3A_149 = arith.constant 0 : index
      %swap3A_150 = vector.load %arg5[%swap3A_147, %swap3A_148, %swap3A_149] : memref<200x1x5000xf32, #tpu.memory_space<vmem>>, vector<1x1x5000xf32>
      tpu.vector_store %arg5[%swap3A_147, %swap3A_148, %swap3A_149], %reshape3A_146 {strides = array<i32>} : memref<200x1x5000xf32, #tpu.memory_space<vmem>>, vector<1x1x5000xf32>,
      %get3A_151 = arith.constant 0 : index
      %get3A_152 = arith.constant 0 : index
      %get3A_153 = vector.load %arg4[%get3A_151, %get3A_152] : memref<1x5000xf32, #tpu.memory_space<vmem>>, vector<1x5000xf32>
      %max3A_154 = arith.maximumf %get3A_153, %dot_general3A_138 : vector<1x5000xf32>
      %swap3A_155 = arith.constant 0 : index
      %swap3A_156 = arith.constant 0 : index
      %swap3A_157 = vector.load %arg4[%swap3A_155, %swap3A_156] : memref<1x5000xf32, #tpu.memory_space<vmem>>, vector<1x5000xf32>
      tpu.vector_store %arg4[%swap3A_155, %swap3A_156], %max3A_154 {strides = array<i32>} : memref<1x5000xf32, #tpu.memory_space<vmem>>, vector<1x5000xf32>,
      %mul3A_158 = arith.constant 4 : i32
      %mul3A_159 = arith.muli %scan3A_81, %mul3A_158 : i32
      %add3A_160 = arith.constant 2 : i32
      %add3A_161 = arith.addi %mul3A_159, %add3A_160 : i32
      %mul3A_162 = arith.constant 5000 : i32
      %mul3A_163 = arith.muli %add3A_161, %mul3A_162 : i32
      %dma_wait3A_164 = arith.constant 2 : i32
      %dma_wait3A_165 = arith.constant 2 : i32
      %dma_wait3A_166 = tpu.memref_slice %arg7[%dma_wait3A_165] : memref<4x!tpu.dma_semaphore, #tpu.memory_space<semaphore_mem>> -> memref<1x!tpu.dma_semaphore, #tpu.memory_space<semaphore_mem>>
      %dma_wait3A_167 = tpu.memref_squeeze %dma_wait3A_166 : memref<1x!tpu.dma_semaphore, #tpu.memory_space<semaphore_mem>> -> memref<!tpu.dma_semaphore, #tpu.memory_space<semaphore_mem>>
      %dma_wait3A_168 = arith.constant 0 : i32
      %dma_wait3A_169 = arith.constant 0 : i32
      %dma_wait3A_170 = tpu.memref_slice %arg3[%dma_wait3A_164, %dma_wait3A_168, %dma_wait3A_169] : memref<4x5000x128xf32, #tpu.memory_space<vmem>> -> memref<1x5000x128xf32, #tpu.memory_space<vmem>>
      %dma_wait3A_171 = tpu.memref_squeeze %dma_wait3A_170 : memref<1x5000x128xf32, #tpu.memory_space<vmem>> -> memref<5000x128xf32, #tpu.memory_space<vmem>>
      %dma_wait3A_172 = arith.constant 0 : i32
      %dma_wait3A_173 = tpu.memref_slice %arg1[%mul3A_163, %dma_wait3A_172] : memref<1000000x128xf32, #tpu.memory_space<any>> -> memref<5000x128xf32, #tpu.memory_space<any>>
      tpu.wait_dma2 semaphore(%dma_wait3A_167 : memref<!tpu.dma_semaphore, #tpu.memory_space<semaphore_mem>>) src(%dma_wait3A_173 : memref<5000x128xf32, #tpu.memory_space<any>>) dst(%dma_wait3A_171 : memref<5000x128xf32, #tpu.memory_space<vmem>>)
      %get3A_174 = arith.constant 2 : index
      %get3A_175 = arith.constant 0 : index
      %get3A_176 = arith.constant 0 : index
      %get3A_177 = vector.load %arg3[%get3A_174, %get3A_175, %get3A_176] : memref<4x5000x128xf32, #tpu.memory_space<vmem>>, vector<1x5000x128xf32>
      %get3A_178 = vector.shape_cast %get3A_177 : vector<1x5000x128xf32> to vector<5000x128xf32>
      %dot_general3A_179 = arith.constant dense<0.000000e+00> : vector<1x5000xf32>
      %dot_general3A_180 = tpu.matmul %broadcast_in_dim3A, %get3A_178, %dot_general3A_179 {dimension_numbers = #tpu.dot_dimension_numbers<[1], [1], [0], [0], [0, 0, 1, 0], [], []>, transpose_lhs_hint = false} : vector<1x128xf32>, vector<5000x128xf32>, vector<1x5000xf32> -> vector<1x5000xf32>
      %add3A_181 = arith.constant 4 : i32
      %add3A_182 = arith.addi %add3A_161, %add3A_181 : i32
      %lt3A_183 = arith.constant 200 : i32
      %lt3A_184 = arith.cmpi slt, %add3A_182, %lt3A_183 : i32
      %convert_element_type3A_185 = arith.extui %lt3A_184 : i1 to i32
      %cond3A_186 = arith.constant 0 : i32
      %cond3A_187 = arith.cmpi ne, %convert_element_type3A_185, %cond3A_186 : i32
      scf.if %cond3A_187 {
        %mul3A_242 = arith.constant 5000 : i32
        %mul3A_243 = arith.muli %add3A_182, %mul3A_242 : i32
        %dma_start3A_244 = arith.constant 2 : i32
        %dma_start3A_245 = arith.constant 2 : i32
        %dma_start3A_246 = tpu.memref_slice %arg7[%dma_start3A_245] : memref<4x!tpu.dma_semaphore, #tpu.memory_space<semaphore_mem>> -> memref<1x!tpu.dma_semaphore, #tpu.memory_space<semaphore_mem>>
        %dma_start3A_247 = tpu.memref_squeeze %dma_start3A_246 : memref<1x!tpu.dma_semaphore, #tpu.memory_space<semaphore_mem>> -> memref<!tpu.dma_semaphore, #tpu.memory_space<semaphore_mem>>
        %dma_start3A_248 = arith.constant 0 : i32
        %dma_start3A_249 = arith.constant 0 : i32
        %dma_start3A_250 = tpu.memref_slice %arg3[%dma_start3A_244, %dma_start3A_248, %dma_start3A_249] : memref<4x5000x128xf32, #tpu.memory_space<vmem>> -> memref<1x5000x128xf32, #tpu.memory_space<vmem>>
        %dma_start3A_251 = tpu.memref_squeeze %dma_start3A_250 : memref<1x5000x128xf32, #tpu.memory_space<vmem>> -> memref<5000x128xf32, #tpu.memory_space<vmem>>
        %dma_start3A_252 = arith.constant 0 : i32
        %dma_start3A_253 = tpu.memref_slice %arg1[%mul3A_243, %dma_start3A_252] : memref<1000000x128xf32, #tpu.memory_space<any>> -> memref<5000x128xf32, #tpu.memory_space<any>>
        tpu.enqueue_dma source(%dma_start3A_253 : memref<5000x128xf32, #tpu.memory_space<any>>) target(%dma_start3A_251 : memref<5000x128xf32, #tpu.memory_space<vmem>>) target_semaphore(%dma_start3A_247 : memref<!tpu.dma_semaphore, #tpu.memory_space<semaphore_mem>>)
      } else {
      }
      %reshape3A_188 = vector.shape_cast %dot_general3A_180 : vector<1x5000xf32> to vector<1x1x5000xf32>
      %swap3A_189 = arith.index_cast %add3A_161 : i32 to index
      %swap3A_190 = arith.constant 0 : index
      %swap3A_191 = arith.constant 0 : index
      %swap3A_192 = vector.load %arg5[%swap3A_189, %swap3A_190, %swap3A_191] : memref<200x1x5000xf32, #tpu.memory_space<vmem>>, vector<1x1x5000xf32>
      tpu.vector_store %arg5[%swap3A_189, %swap3A_190, %swap3A_191], %reshape3A_188 {strides = array<i32>} : memref<200x1x5000xf32, #tpu.memory_space<vmem>>, vector<1x1x5000xf32>,
      %get3A_193 = arith.constant 0 : index
      %get3A_194 = arith.constant 0 : index
      %get3A_195 = vector.load %arg4[%get3A_193, %get3A_194] : memref<1x5000xf32, #tpu.memory_space<vmem>>, vector<1x5000xf32>
      %max3A_196 = arith.maximumf %get3A_195, %dot_general3A_180 : vector<1x5000xf32>
      %swap3A_197 = arith.constant 0 : index
      %swap3A_198 = arith.constant 0 : index
      %swap3A_199 = vector.load %arg4[%swap3A_197, %swap3A_198] : memref<1x5000xf32, #tpu.memory_space<vmem>>, vector<1x5000xf32>
      tpu.vector_store %arg4[%swap3A_197, %swap3A_198], %max3A_196 {strides = array<i32>} : memref<1x5000xf32, #tpu.memory_space<vmem>>, vector<1x5000xf32>,
      %mul3A_200 = arith.constant 4 : i32
      %mul3A_201 = arith.muli %scan3A_81, %mul3A_200 : i32
      %add3A_202 = arith.constant 3 : i32
      %add3A_203 = arith.addi %mul3A_201, %add3A_202 : i32
      %mul3A_204 = arith.constant 5000 : i32
      %mul3A_205 = arith.muli %add3A_203, %mul3A_204 : i32
      %dma_wait3A_206 = arith.constant 3 : i32
      %dma_wait3A_207 = arith.constant 3 : i32
      %dma_wait3A_208 = tpu.memref_slice %arg7[%dma_wait3A_207] : memref<4x!tpu.dma_semaphore, #tpu.memory_space<semaphore_mem>> -> memref<1x!tpu.dma_semaphore, #tpu.memory_space<semaphore_mem>>
      %dma_wait3A_209 = tpu.memref_squeeze %dma_wait3A_208 : memref<1x!tpu.dma_semaphore, #tpu.memory_space<semaphore_mem>> -> memref<!tpu.dma_semaphore, #tpu.memory_space<semaphore_mem>>
      %dma_wait3A_210 = arith.constant 0 : i32
      %dma_wait3A_211 = arith.constant 0 : i32
      %dma_wait3A_212 = tpu.memref_slice %arg3[%dma_wait3A_206, %dma_wait3A_210, %dma_wait3A_211] : memref<4x5000x128xf32, #tpu.memory_space<vmem>> -> memref<1x5000x128xf32, #tpu.memory_space<vmem>>
      %dma_wait3A_213 = tpu.memref_squeeze %dma_wait3A_212 : memref<1x5000x128xf32, #tpu.memory_space<vmem>> -> memref<5000x128xf32, #tpu.memory_space<vmem>>
      %dma_wait3A_214 = arith.constant 0 : i32
      %dma_wait3A_215 = tpu.memref_slice %arg1[%mul3A_205, %dma_wait3A_214] : memref<1000000x128xf32, #tpu.memory_space<any>> -> memref<5000x128xf32, #tpu.memory_space<any>>
      tpu.wait_dma2 semaphore(%dma_wait3A_209 : memref<!tpu.dma_semaphore, #tpu.memory_space<semaphore_mem>>) src(%dma_wait3A_215 : memref<5000x128xf32, #tpu.memory_space<any>>) dst(%dma_wait3A_213 : memref<5000x128xf32, #tpu.memory_space<vmem>>)
      %get3A_216 = arith.constant 3 : index
      %get3A_217 = arith.constant 0 : index
      %get3A_218 = arith.constant 0 : index
      %get3A_219 = vector.load %arg3[%get3A_216, %get3A_217, %get3A_218] : memref<4x5000x128xf32, #tpu.memory_space<vmem>>, vector<1x5000x128xf32>
      %get3A_220 = vector.shape_cast %get3A_219 : vector<1x5000x128xf32> to vector<5000x128xf32>
      %dot_general3A_221 = arith.constant dense<0.000000e+00> : vector<1x5000xf32>
      %dot_general3A_222 = tpu.matmul %broadcast_in_dim3A, %get3A_220, %dot_general3A_221 {dimension_numbers = #tpu.dot_dimension_numbers<[1], [1], [0], [0], [0, 0, 1, 0], [], []>, transpose_lhs_hint = false} : vector<1x128xf32>, vector<5000x128xf32>, vector<1x5000xf32> -> vector<1x5000xf32>
      %add3A_223 = arith.constant 4 : i32
      %add3A_224 = arith.addi %add3A_203, %add3A_223 : i32
      %lt3A_225 = arith.constant 200 : i32
      %lt3A_226 = arith.cmpi slt, %add3A_224, %lt3A_225 : i32
      %convert_element_type3A_227 = arith.extui %lt3A_226 : i1 to i32
      %cond3A_228 = arith.constant 0 : i32
      %cond3A_229 = arith.cmpi ne, %convert_element_type3A_227, %cond3A_228 : i32
      scf.if %cond3A_229 {
        %mul3A_242 = arith.constant 5000 : i32
        %mul3A_243 = arith.muli %add3A_224, %mul3A_242 : i32
        %dma_start3A_244 = arith.constant 3 : i32
        %dma_start3A_245 = arith.constant 3 : i32
        %dma_start3A_246 = tpu.memref_slice %arg7[%dma_start3A_245] : memref<4x!tpu.dma_semaphore, #tpu.memory_space<semaphore_mem>> -> memref<1x!tpu.dma_semaphore, #tpu.memory_space<semaphore_mem>>
        %dma_start3A_247 = tpu.memref_squeeze %dma_start3A_246 : memref<1x!tpu.dma_semaphore, #tpu.memory_space<semaphore_mem>> -> memref<!tpu.dma_semaphore, #tpu.memory_space<semaphore_mem>>
        %dma_start3A_248 = arith.constant 0 : i32
        %dma_start3A_249 = arith.constant 0 : i32
        %dma_start3A_250 = tpu.memref_slice %arg3[%dma_start3A_244, %dma_start3A_248, %dma_start3A_249] : memref<4x5000x128xf32, #tpu.memory_space<vmem>> -> memref<1x5000x128xf32, #tpu.memory_space<vmem>>
        %dma_start3A_251 = tpu.memref_squeeze %dma_start3A_250 : memref<1x5000x128xf32, #tpu.memory_space<vmem>> -> memref<5000x128xf32, #tpu.memory_space<vmem>>
        %dma_start3A_252 = arith.constant 0 : i32
        %dma_start3A_253 = tpu.memref_slice %arg1[%mul3A_243, %dma_start3A_252] : memref<1000000x128xf32, #tpu.memory_space<any>> -> memref<5000x128xf32, #tpu.memory_space<any>>
        tpu.enqueue_dma source(%dma_start3A_253 : memref<5000x128xf32, #tpu.memory_space<any>>) target(%dma_start3A_251 : memref<5000x128xf32, #tpu.memory_space<vmem>>) target_semaphore(%dma_start3A_247 : memref<!tpu.dma_semaphore, #tpu.memory_space<semaphore_mem>>)
      } else {
      }
      %reshape3A_230 = vector.shape_cast %dot_general3A_222 : vector<1x5000xf32> to vector<1x1x5000xf32>
      %swap3A_231 = arith.index_cast %add3A_203 : i32 to index
      %swap3A_232 = arith.constant 0 : index
      %swap3A_233 = arith.constant 0 : index
      %swap3A_234 = vector.load %arg5[%swap3A_231, %swap3A_232, %swap3A_233] : memref<200x1x5000xf32, #tpu.memory_space<vmem>>, vector<1x1x5000xf32>
      tpu.vector_store %arg5[%swap3A_231, %swap3A_232, %swap3A_233], %reshape3A_230 {strides = array<i32>} : memref<200x1x5000xf32, #tpu.memory_space<vmem>>, vector<1x1x5000xf32>,
      %get3A_235 = arith.constant 0 : index
      %get3A_236 = arith.constant 0 : index
      %get3A_237 = vector.load %arg4[%get3A_235, %get3A_236] : memref<1x5000xf32, #tpu.memory_space<vmem>>, vector<1x5000xf32>
      %max3A_238 = arith.maximumf %get3A_237, %dot_general3A_222 : vector<1x5000xf32>
      %swap3A_239 = arith.constant 0 : index
      %swap3A_240 = arith.constant 0 : index
      %swap3A_241 = vector.load %arg4[%swap3A_239, %swap3A_240] : memref<1x5000xf32, #tpu.memory_space<vmem>>, vector<1x5000xf32>
      tpu.vector_store %arg4[%swap3A_239, %swap3A_240], %max3A_238 {strides = array<i32>} : memref<1x5000xf32, #tpu.memory_space<vmem>>, vector<1x5000xf32>,
    }
    %scan3A_53 = arith.constant 50 : i32
    %get3A_54 = arith.constant 0 : index
    %get3A_55 = arith.constant 0 : index
    %get3A_56 = vector.load %arg4[%get3A_54, %get3A_55] : memref<1x5000xf32, #tpu.memory_space<vmem>>, vector<1x5000xf32>
    %reduce_max3A = vector.shape_cast %get3A_56 : vector<1x5000xf32> to vector<1x1x5000xf32>
    %reduce_max3A_57 = arith.constant dense<0xFF800000> : vector<1xf32>
    %reduce_max3A_58 = vector.multi_reduction <maximumf>, %reduce_max3A, %reduce_max3A_57 [1, 2] : vector<1x1x5000xf32> to vector<1xf32>
    %reduce_max3A_59 = vector.shape_cast %reduce_max3A_58 : vector<1xf32> to vector<1x1x1xf32>
    %reduce_max3A_60 = vector.extract %reduce_max3A_59[0, 0, 0] : f32 from vector<1x1x1xf32>
    %get3A_61 = arith.constant 0 : index
    %get3A_62 = arith.constant 0 : index
    %get3A_63 = arith.constant 0 : index
    %get3A_64 = vector.load %arg5[%get3A_61, %get3A_62, %get3A_63] : memref<200x1x5000xf32, #tpu.memory_space<vmem>>, vector<200x1x5000xf32>
    %sub3A = vector.broadcast %reduce_max3A_60 : f32 to vector<200x1x5000xf32>
    %sub3A_65 = arith.subf %get3A_64, %sub3A : vector<200x1x5000xf32>
    %exp3A = math.exp %sub3A_65 : vector<200x1x5000xf32>
    %reduce_sum3A_66 = vector.shape_cast %exp3A : vector<200x1x5000xf32> to vector<1x200x1x5000xf32>
    %reduce_sum3A_67 = arith.constant dense<0.000000e+00> : vector<1xf32>
    %reduce_sum3A_68 = vector.multi_reduction <add>, %reduce_sum3A_66, %reduce_sum3A_67 [1, 2, 3] : vector<1x200x1x5000xf32> to vector<1xf32>
    %reduce_sum3A_69 = vector.shape_cast %reduce_sum3A_68 : vector<1xf32> to vector<1x1x1x1xf32>
    %reduce_sum3A_70 = vector.extract %reduce_sum3A_69[0, 0, 0, 0] : f32 from vector<1x1x1x1xf32>
    %log3A = math.log %reduce_sum3A_70 : f32
    %add3A = arith.addf %reduce_max3A_60, %log3A : f32
    %get3A_71 = arith.constant 0 : index
    %get3A_72 = arith.constant 0 : index
    %get3A_73 = arith.constant 0 : index
    %get3A_74 = vector.load %arg5[%get3A_71, %get3A_72, %get3A_73] : memref<200x1x5000xf32, #tpu.memory_space<vmem>>, vector<200x1x5000xf32>
    %sub3A_75 = vector.broadcast %add3A : f32 to vector<200x1x5000xf32>
    %sub3A_76 = arith.subf %get3A_74, %sub3A_75 : vector<200x1x5000xf32>
    %swap3A_77 = arith.constant 0 : index
    %swap3A_78 = arith.constant 0 : index
    %swap3A_79 = arith.constant 0 : index
    %swap3A_80 = vector.load %arg6[%swap3A_77, %swap3A_78, %swap3A_79] : memref<200x1x5000xf32, #tpu.memory_space<vmem>>, vector<200x1x5000xf32>
    tpu.vector_store %arg6[%swap3A_77, %swap3A_78, %swap3A_79], %sub3A_76 {strides = array<i32>} : memref<200x1x5000xf32, #tpu.memory_space<vmem>>, vector<200x1x5000xf32>,
    tpu.enqueue_dma source(%arg6 : memref<200x1x5000xf32, #tpu.memory_space<vmem>>) target(%arg2 : memref<200x1x5000xf32, #tpu.memory_space<any>>) target_semaphore(%arg8 : memref<!tpu.dma_semaphore, #tpu.memory_space<semaphore_mem>>)
    tpu.wait_dma2 semaphore(%arg8 : memref<!tpu.dma_semaphore, #tpu.memory_space<semaphore_mem>>) src(%arg6 : memref<200x1x5000xf32, #tpu.memory_space<vmem>>) dst(%arg2 : memref<200x1x5000xf32, #tpu.memory_space<any>>)
    return
  }
}

</mosaic_0001>

<sc_bundles>
// kernel: kernel.4.cloned.1.call-start
scs
__scs_entry_jumppad:
0x0: {  	(pc) =	sbr.rel $0x88, $3  }
0x1: {  	(tag) =	ssettag $0x0;
	lr =	simm.s32 $0x1  }
0x2: {  	[smem:$0x3F9E] =	sst lr;
	_ =	strace $0xD0000000  }
0x3: {  	_ = 	snop  }
0x4: {  	_ = 	snop  }
0x5: {  	_ = 	snop  }
0x6: {  	_ = 	snop  }
0x7: {  	_ = 	snop  }
__scs_overlays_trampoline_lowered:
0x8: {  	[smem:$0x3FAD] =	sst s0  }
0x9: {  	[smem:$0x3FAE] =	sst s1  }
0xa: {  	[smem:$0x3FAF] =	sst s2  }
0xb: {  	[smem:$0x3FB0] =	sst s3  }
0xc: {  	[smem:$0x3FB1] =	sst s4  }
0xd: {  	[smem:$0x3FB2] =	sst s5  }
0xe: {  	[smem:$0x3FB3] =	sst s6  }
0xf: {  	[smem:$0x3FB4] =	sst s7  }
0x10: {  	[smem:$0x3FB5] =	sst s8  }
0x11: {  	[smem:$0x3FB6] =	sst s9;
	s0 =	simm.s32 @!p0 $0x0  }
0x12: {  	s1 =	sld [smem:$0x3F9C];
	s0 =	simm.s32 @p0 $0x1  }
0x13: {  	[smem:$0x3FB7] =	sst s0;
	s0 =	simm.s32 @!p1 $0x0  }
0x14: {  	s2 =	sld [smem:$0x3F9B];
	s0 =	simm.s32 @p1 $0x1  }
0x15: {  	[smem:$0x3FB8] =	sst s0;
	s0 =	simm.s32 @!p2 $0x0  }
0x16: {  	s3 =	sld [smem:$0x3FDB];
	s0 =	simm.s32 @p2 $0x1  }
0x17: {  	s4 =	simm.s32 $0x1BF5;
	[smem:$0x3FBA] =	sst s0  }
0x18: {  	s0 =	sld [smem:$0x3F9D];
	_ =	swait.ge [sflag:s4], $0x0  }
0x19: {  	s7 =	sld [smem:$0x3F9E]  }
0x1a: {  	s8 =	sadd.s32 $0xFFFFE003, lr  }
0x1b: {  	s9 =	sadd.s32 $0xFFFFFEF7, lr;
	s5 =	simm.s32 $0xFFFFFFFF;
	p2 =	slt.u32 s8, $0xFFFFF086  }
0x1c: {  	p1 =	slt.u32 s9, $0xF7A;
	s5 =	simm.s32 @!p2 $0x0  }
0x1d: {  	s5 =	simm.s32 @p1 $0x1;
	p0 =	seq.s32 s7, s2  }
0x1e: {  	s7 =	smul.u32 @!p0 $0xF7A, s2;
	p2 =	seq.s32 @!p0 s5, $0x0  }
0x1f: {  	s9 =	smul.u32 $0xF7A, s1;
	s8 =	simm.s32 @!p0 $0x1BF5;
	p2 =	por !p2, p0  }
0x20: {  	[sflag:s8] =	ssyncset.s32 @!p0 $0xFFFFF086;
	s6 =	sadd.s32 @!p0 s3, s7;
	s7 =	simm.s32 @!p0 $0x108  }
0x21: {  	s3 =	sadd.s32 s3, s9;
	s6 =	sadd.s32 @!p0 $0x88, s6;
	s7 =	simm.s32 @p2 $0x1082  }
0x22: {  	[simem:s7], [sflag:s8] =	dma.local @!p0 [hbm:s6], $0xF7A  }
0x23: {  	s9 =	sor.u32 $0xD0000000, s2;
	s6 =	simm.s32 $0x108;
	_ =	swait.ge @!p0 [sflag:s8], $0x0  }
0x24: {  	s3 =	sadd.s32 $0x88, s3;
	s6 =	simm.s32 @!p1 $0x1082;
	[sflag:s4] =	ssyncset.s32 $0xFFFFF086  }
0x25: {  	[simem:s6], [sflag:s4] =	dma.local [hbm:s3], $0xF7A  }
0x26: {  	[smem:$0x3F9E] =	sst s1;
	(tag) =	ssettag s2;
	_ =	strace s9  }
0x27: {  	s1 =	sld [smem:$0x3FAE]  }
0x28: {  	s2 =	sld [smem:$0x3FAF]  }
0x29: {  	s4 =	sld [smem:$0x3FB1]  }
0x2a: {  	p0 =	seq.s32 s5, $0x0;
	s5 =	sld [smem:$0x3FB2]  }
0x2b: {  	s6 =	sld [smem:$0x3FB3]  }
0x2c: {  	s7 =	sld [smem:$0x3FB4]  }
0x2d: {  	s3 =	simm.s32 $0x108;
	s8 =	sld [smem:$0x3FB5]  }
0x2e: {  	s3 =	simm.s32 @!p0 $0x1082;
	s9 =	sld [smem:$0x3FB6]  }
0x2f: {  	lr =	sadd.s32 s0, s3;
	s0 =	sld [smem:$0x3FAD]  }
0x30: {  	s3 =	sld [smem:$0x3FB0]  }
0x31: {  	[smem:$0x3FB9] =	sst s10  }
0x32: {  	s10 =	sld [smem:$0x3FB7];
	_ =	sdelay $0x3  }
0x33: {  	p0 =	seq.s32 s10, $0x1;
	s10 =	sld [smem:$0x3FB9];
	_ =	sdelay $0x3  }
0x34: {  	[smem:$0x3FB9] =	sst s10  }
0x35: {  	s10 =	sld [smem:$0x3FB8];
	_ =	sdelay $0x3  }
0x36: {  	p1 =	seq.s32 s10, $0x1;
	s10 =	sld [smem:$0x3FB9];
	_ =	sdelay $0x3  }
0x37: {  	[smem:$0x3FB9] =	sst s10  }
0x38: {  	s10 =	sld [smem:$0x3FBA]  }
0x39: {  	_ = 	snop;
	(pc) =	sbr.ind lr, $3  }
0x3a: {  	_ = 	snop  }
0x3b: {  	_ = 	snop  }
0x3c: {  	p2 =	seq.s32 s10, $0x1;
	s10 =	sld [smem:$0x3FB9]  }
0x3d: {  	_ =	shalt  }
0x3e: {  	_ =	shalt  }
0x3f: {  	_ =	shalt  }
0x40: {  	_ =	shalt  }
0x41: {  	_ =	shalt  }
0x42: {  	_ =	shalt  }
0x43: {  	_ =	shalt  }
0x44: {  	_ =	shalt  }
0x45: {  	_ =	shalt  }
0x46: {  	_ =	shalt  }
0x47: {  	_ =	shalt  }
0x48: {  	_ =	shalt  }
0x49: {  	_ =	shalt  }
0x4a: {  	_ =	shalt  }
0x4b: {  	_ =	shalt  }
0x4c: {  	_ =	shalt  }
0x4d: {  	_ =	shalt  }
0x4e: {  	_ =	shalt  }
0x4f: {  	_ =	shalt  }
0x50: {  	_ =	shalt  }
0x51: {  	_ =	shalt  }
0x52: {  	_ =	shalt  }
0x53: {  	_ =	shalt  }
0x54: {  	_ =	shalt  }
0x55: {  	_ =	shalt  }
0x56: {  	_ =	shalt  }
0x57: {  	_ =	shalt  }
0x58: {  	_ =	shalt  }
0x59: {  	_ =	shalt  }
0x5a: {  	_ =	shalt  }
0x5b: {  	_ =	shalt  }
0x5c: {  	_ =	shalt  }
0x5d: {  	_ =	shalt  }
0x5e: {  	_ =	shalt  }
0x5f: {  	_ =	shalt  }
0x60: {  	_ =	shalt  }
0x61: {  	_ =	shalt  }
0x62: {  	_ =	shalt  }
0x63: {  	_ =	shalt  }
0x64: {  	_ =	shalt  }
0x65: {  	_ =	shalt  }
0x66: {  	_ =	shalt  }
0x67: {  	_ =	shalt  }
0x68: {  	_ =	shalt  }
0x69: {  	_ =	shalt  }
0x6a: {  	_ =	shalt  }
0x6b: {  	_ =	shalt  }
0x6c: {  	_ =	shalt  }
0x6d: {  	_ =	shalt  }
0x6e: {  	_ =	shalt  }
0x6f: {  	_ =	shalt  }
0x70: {  	_ =	shalt  }
0x71: {  	_ =	shalt  }
0x72: {  	_ =	shalt  }
0x73: {  	_ =	shalt  }
0x74: {  	_ =	shalt  }
0x75: {  	_ =	shalt  }
0x76: {  	_ =	shalt  }
0x77: {  	_ =	shalt  }
0x78: {  	_ =	shalt  }
0x79: {  	_ =	shalt  }
0x7a: {  	_ =	shalt  }
0x7b: {  	_ =	shalt  }
0x7c: {  	_ =	shalt  }
0x7d: {  	_ =	shalt  }
0x7e: {  	_ =	shalt  }
0x7f: {  	_ =	shalt  }
0x80: {  	_ =	shalt  }
0x81: {  	_ =	shalt  }
0x82: {  	_ =	shalt  }
0x83: {  	_ =	shalt  }
0x84: {  	_ =	shalt  }
0x85: {  	_ =	shalt  }
0x86: {  	_ =	shalt  }
0x87: {  	_ =	shalt  }
.Lfunc_end0:
.L_simem_size_0:
called_computation_lowered:
.L_overlay_start_0:
0x88: {  	s2 =	sld [smem:$0x3FD9]  }
0x89: {  	s3 =	sld [smem:$0x3FFE];
	_ =	sdelay $0x1  }
0x8a: {  	s1 =	srdreg.scid  }
0x8b: {  	s0 =	sand.u32 $0x1, s1  }
0x8c: {  	s17 =	sshll.u32 s0, $0xA;
	s2 =	sadd.s32 s3, s2  }
0x8d: {  	s2 =	sadd.s32 s2, s17  }
0x8e: {  	[smem:$0x3FC5] =	sst s2  }
0x8f: {  	_ = 	snop  }
0x90: {  	s2 =	sld [smem:$0x3FC8]  }
0x91: {  	s18 =	sld [smem:$0x3FD0];
	(tm) =	ssettm $0x1  }
0x92: {  	s4 =	sld [smem:$0x3FFB];
	_ =	sdelay $0x3  }
0x93: {  	_ =	strace s4  }
0x94: {  	s4 =	sld [smem:$0x3FFC];
	_ =	sdelay $0x3  }
0x95: {  	_ =	strace s4  }
0x96: {  	s4 =	sld [smem:$0x3FFD];
	_ =	sdelay $0x3  }
0x97: {  	_ =	strace s4  }
0x98: {  	_ =	strace $0x8FFFFFFF  }
0x99: {  	s19 =	sld [smem:$0x3FDB];
	_ =	sdelay $0x1  }
0x9a: {  	s5 =	simm.s32 $_scs_section_size  }
0x9b: {  	s6 =	simm.s32 $_size__tile_overlayer_lowered;
	s7 =	simm.s32 $_tile_overlayer_lowered  }
0x9c: {  	s22 =	simm.s32 $0x1BFF;
	s21 =	sshll.u32 s7, $0x1;
	s4 =	sadd.s32 s5, s19  }
0x9d: {  	s8 =	simm.s32 $0x0;
	s20 =	sshll.u32 s6, $0x1;
	s6 =	sadd.s32 s21, s4  }
0x9e: {  	[timem:s8], [sflag:s22] =	dma.local [hbm:s6], s20  }
0x9f: {  	_ =	swait.ge [sflag:s22], s20  }
0xa0: {  	s5 =	ssub.s32 $0x0, s20;
	[sflag:s22] =	ssyncset.done $0x0  }
0xa1: {  	[sflag:s22] =	ssyncadd.s32 s5;
	_ =	sdelay $0x1  }
0xa2: {  	s23 =	simm.s32 $0x1B8B  }
0xa3: {  	_ =	swait.ge [sflag:s23], $0x1  }
0xa4: {  	[sflag:s23] =	ssyncset.done $0x0  }
0xa5: {  	s25 =	simm.s32 $0x1B8E;
	s24 =	sld [smem:$0x3FFE];
	[sflag:s23] =	ssyncadd.s32 $0xFFFFFFFF  }
0xa6: {  	s26 =	simm.s32 $execute0_lowered;
	[smem:$0x3FD2] =	sst s25  }
0xa7: {  	s6 =	sshll.u32 s26, $0x1;
	_ =	strace $0x80000046;
	[dreg:$0x1] =	wrdreg $0xFFFFFFFF  }
0xa8: {  	s28 =	simm.s32 $_size_execute0_lowered;
	s4 =	sadd.s32 s4, s6;
	[dreg:$0x0] =	wrdreg $0x0  }
0xa9: {  	s6 =	sshll.u32 s28, $0x1;
	[dreg:$0x2] =	wrdreg s4  }
0xaa: {  	[dreg:$0x3] =	wrdreg s6  }
0xab: {  	[dreg:$0x4] =	wrdreg $0xC0  }
0xac: {  	_ =	task [dreg:s8], $0x5FFFF  }
0xad: {  	[dreg:$0x1] =	wrdreg $0xFFFFFFFF  }
0xae: {  	[dreg:$0x0] =	wrdreg $0x60  }
0xaf: {  	[dreg:$0x2] =	wrdreg s24  }
0xb0: {  	[dreg:$0x3] =	wrdreg s2  }
0xb1: {  	[dreg:$0x4] =	wrdreg s18  }
0xb2: {  	[dreg:$0x5] =	wrdreg $0x9  }
0xb3: {  	_ =	task.clear_ibuf [dreg:s8], $0x6FFFF;
	_ =	strace $0x90000046  }
0xb4: {  	s29 =	simm.s32 $0x9;
	_ =	strace $0x80000048  }
0xb5: {  	_ =	swait.ge [sflag:s29], $0x1  }
0xb6: {  	[sflag:s29] =	ssyncadd.s32 $0xFFFFFFFF  }
0xb7: {  	_ =	strace $0x90000048  }
0xb8: {  	_ =	sfence  }
0xb9: {  	s30 =	sld [smem:$0x0];
	_ =	sdelay $0x2  }
0xba: {  	s31 =	sshll.u32 s1, $0xD;
	s1 =	sshrl.u32 s1, $0x2  }
0xbb: {  	s3 =	sand.u32 $0x4000, s31;
	s1 =	sadd.s32 s1, s30  }
0xbc: {  	s0 =	sor.u32 s3, s0;
	s1 =	sshll.u32 s1, $0x11  }
0xbd: {  	s0 =	sor.u32 s1, s0  }
0xbe: {  	s0 =	sadd.s32 $0x8F2B, s0  }
0xbf: {  	[sflag:s0] =	ssyncadd.remote.s32 $0x1  }
0xc0: {  	_ =	sfence.sel $0xFFFF  }
0xc1: {  	[dreg:$0x0] =	wrdreg $0xFFFFFFFF;
	(pc) =	sbr.abs _section_cstart, $3  }
0xc2: {  	[dreg:$0x1] =	wrdreg $0xFFFFFFFF  }
0xc3: {  	_ =	task.clear_ibuf [dreg:s8], $0x2FFFF;
	_ =	strace $0x9FFFFFFF  }
0xc4: {  	(tm) =	ssettm $0x7FFFFFFF  }
0xc5: {  	_ =	shalt  }
tec
execute0_lowered:
.L_overlay_start_1:
0x0: {  	(tag) =	ssettag $0x1  }
0x1: {  	s4 =	rddreg [dreg:$0x0]  }
0x2: {  	s2 =	rddreg [dreg:$0x1]  }
0x3: {  	s5 =	rddreg [dreg:$0x2];
	s3 =	srdreg.scid  }
0x4: {  	s0 =	rddreg [dreg:$0x3];
	s1 =	stileid.u32;
	s9 =	simm.f32 $4.999999890e-03  }
0x5: {  	s10 =	simm.s32 $0x1;
	s11 =	simm.s32 $0x480;
	s6 =	sand.u32 $0x1, s3  }
0x6: {  	s3 =	simm.s32 $0x0;
	s7 =	sshll.u32 s1, $0x1;
	s8 =	ssub.s32 $0x2, s6  }
0x7: {  	[smem:$0x7FF] =	sst s3;
	s6 =	sor.u32 s6, s7;
	s31 =	sshrl.u32 s8, $0x1  }
0x8: {  	_ =	strace $0x80000047;
	s4 =	sadd.s32 s6, s4;
	p0 =	slt.u32 s6, $0x19  }
0x9: {  	s6 =	sshll.u32 s6, $0x4;
	s7 =	ssub.s32 s8, s31;
	s4 =	sadd.s32 $0x200, s4  }
0xa: {  	s9 =	simm.s32 @!p0 $0x0;
	s5 =	sadd.s32 s5, s6;
	s8 =	simm.s32 $0x8  }
0xb: {  	s6 =	smax.u32 s7, $0x1;
	s7 =	simm.s32 $0x2;
	v0 =	vmov s9;
	s9 =	simm.s32 $0x80  }
.LBB2_1:
0xc: {  	[tilespmem:s3], [sflag:$0x2] =	stream.linear.gather [hbm4b:s4+s3], $0x8, $0x38;
	[tilespmem:$0x500] =	vst v63  }
0xd: {  	_ =	swait.ge [sflag:s7], $0x8  }
0xe: {  	[sflag:s7] =	ssyncset.done $0x0  }
0xf: {  	[sflag:s7] =	ssyncadd.s32 $0xFFFFFFF8  }
0x10: {  	[tilespmem:s9], [sflag:$0x1] =	stream.indirect.gather [hbm4b:s2+s8], $0x80, s3, s8, $0xb8;
	[tilespmem:$0x500] =	vst v63  }
0x11: {  	_ =	swait.ge [sflag:s10], $0x400  }
0x12: {  	[sflag:s10] =	ssyncset.done $0x0  }
0x13: {  	[sflag:s10] =	ssyncadd.s32 $0xFFFFFC00  }
0x14: {  	v1 =	vld [tilespmem:$0x80]  }
0x15: {  	v2 =	vld [tilespmem:$0x100]  }
0x16: {  	v3 =	vld [tilespmem:$0x180]  }
0x17: {  	v4 =	vld [tilespmem:$0x200]  }
0x18: {  	v5 =	vld [tilespmem:$0x280]  }
0x19: {  	v6 =	vld [tilespmem:$0x300]  }
0x1a: {  	v7 =	vld [tilespmem:$0x380]  }
0x1b: {  	v8 =	vld [tilespmem:$0x400]  }
0x1c: {  	v9 =	vld [tilespmem:$0x90]  }
0x1d: {  	v10 =	vld [tilespmem:$0x110]  }
0x1e: {  	v11 =	vld [tilespmem:$0x190]  }
0x1f: {  	v12 =	vld [tilespmem:$0x210]  }
0x20: {  	v13 =	vld [tilespmem:$0x290]  }
0x21: {  	v14 =	vld [tilespmem:$0x310]  }
0x22: {  	v15 =	vld [tilespmem:$0x390]  }
0x23: {  	v16 =	vld [tilespmem:$0x410]  }
0x24: {  	v17 =	vld [tilespmem:$0xA0]  }
0x25: {  	v18 =	vld [tilespmem:$0x120]  }
0x26: {  	v19 =	vld [tilespmem:$0x1A0]  }
0x27: {  	v20 =	vld [tilespmem:$0x220]  }
0x28: {  	v21 =	vld [tilespmem:$0x2A0]  }
0x29: {  	v22 =	vld [tilespmem:$0x320]  }
0x2a: {  	v23 =	vld [tilespmem:$0x3A0]  }
0x2b: {  	v24 =	vld [tilespmem:$0x420]  }
0x2c: {  	v25 =	vld [tilespmem:$0xB0]  }
0x2d: {  	v26 =	vld [tilespmem:$0x130]  }
0x2e: {  	v27 =	vld [tilespmem:$0x1B0]  }
0x2f: {  	v28 =	vld [tilespmem:$0x230]  }
0x30: {  	v29 =	vld [tilespmem:$0x2B0]  }
0x31: {  	v30 =	vld [tilespmem:$0x330]  }
0x32: {  	v31 =	vld [tilespmem:$0x3B0]  }
0x33: {  	v32 =	vld [tilespmem:$0x430]  }
0x34: {  	v33 =	vld [tilespmem:$0xC0]  }
0x35: {  	v34 =	vld [tilespmem:$0x140]  }
0x36: {  	v35 =	vld [tilespmem:$0x1C0]  }
0x37: {  	v36 =	vld [tilespmem:$0x240]  }
0x38: {  	v61 =	vld [tilespmem:$0xD0]  }
0x39: {  	v62 =	vld [tilespmem:$0x150]  }
0x3a: {  	v37 =	vld [tilespmem:$0x2C0]  }
0x3b: {  	v38 =	vld [tilespmem:$0x340]  }
0x3c: {  	v39 =	vld [tilespmem:$0x3C0];
	v1 =	vadd.f32 v2, v1;
	v9 =	vadd.f32 v10, v9  }
0x3d: {  	v40 =	vld [tilespmem:$0x350];
	v63 =	vadd.f32 v26, v25;
	v48 =	vadd.f32 v34, v33  }
0x3e: {  	v25 =	vld [tilespmem:$0x1D0];
	v10 =	vadd.f32 v62, v61;
	v1 =	vadd.f32 v3, v1  }
0x3f: {  	v41 =	vld [tilespmem:$0x3D0];
	v3 =	vadd.f32 v18, v17;
	v9 =	vadd.f32 v11, v9  }
0x40: {  	v42 =	vld [tilespmem:$0x450];
	v11 =	vadd.f32 v27, v63;
	v1 =	vadd.f32 v4, v1  }
0x41: {  	v26 =	vld [tilespmem:$0x250];
	v3 =	vadd.f32 v19, v3;
	v9 =	vadd.f32 v12, v9  }
0x42: {  	v43 =	vld [tilespmem:$0xE0];
	v11 =	vadd.f32 v28, v11;
	v19 =	vadd.f32 v35, v48  }
0x43: {  	v44 =	vld [tilespmem:$0x160];
	v10 =	vadd.f32 v25, v10;
	v1 =	vadd.f32 v5, v1  }
0x44: {  	v27 =	vld [tilespmem:$0x2D0];
	v3 =	vadd.f32 v20, v3;
	v9 =	vadd.f32 v13, v9  }
0x45: {  	v45 =	vld [tilespmem:$0xF0];
	v11 =	vadd.f32 v29, v11;
	v53 =	vadd.f32 v36, v19  }
0x46: {  	v46 =	vld [tilespmem:$0x170];
	v4 =	vadd.f32 v26, v10;
	v1 =	vadd.f32 v6, v1  }
0x47: {  	v47 =	vld [tilespmem:$0x1E0];
	v3 =	vadd.f32 v21, v3;
	v9 =	vadd.f32 v14, v9  }
0x48: {  	v49 =	vld [tilespmem:$0x1F0];
	v11 =	vadd.f32 v30, v11;
	v18 =	vadd.f32 v37, v53  }
0x49: {  	v50 =	vld [tilespmem:$0x260];
	v4 =	vadd.f32 v27, v4;
	v1 =	vadd.f32 v7, v1  }
0x4a: {  	v51 =	vld [tilespmem:$0x270];
	v3 =	vadd.f32 v22, v3;
	v9 =	vadd.f32 v15, v9  }
0x4b: {  	v52 =	vld [tilespmem:$0x2E0];
	v11 =	vadd.f32 v31, v11;
	v7 =	vadd.f32 v44, v43  }
0x4c: {  	v54 =	vld [tilespmem:$0x2F0];
	v1 =	vadd.f32 v8, v1;
	v8 =	vadd.f32 v46, v45  }
0x4d: {  	v55 =	vld [tilespmem:$0x360];
	v58 =	vadd.f32 v38, v18;
	v7 =	vadd.f32 v47, v7  }
0x4e: {  	v56 =	vld [tilespmem:$0x370];
	v4 =	vadd.f32 v40, v4;
	v8 =	vadd.f32 v49, v8  }
0x4f: {  	v57 =	vld [tilespmem:$0x3E0];
	v3 =	vadd.f32 v23, v3;
	v7 =	vadd.f32 v50, v7  }
0x50: {  	v2 =	vld [tilespmem:$0x440];
	v9 =	vadd.f32 v16, v9;
	v8 =	vadd.f32 v51, v8  }
0x51: {  	v59 =	vld [tilespmem:$0x3F0];
	v11 =	vadd.f32 v32, v11;
	v7 =	vadd.f32 v52, v7  }
0x52: {  	v61 =	vld [tilespmem:$0x460];
	v14 =	vadd.f32 v39, v58;
	v60 =	vadd.f32 v54, v8  }
0x53: {  	v62 =	vld [tilespmem:$0x470];
	v4 =	vadd.f32 v41, v4;
	v1 =	vmul.f32 v1, v0;
	v7 =	vadd.f32 v55, v7  }
0x54: {  	v3 =	vadd.f32 v24, v3;
	v9 =	vmul.f32 v9, v0;
	v5 =	vadd.f32 v56, v60  }
0x55: {  	v63 =	vmul.f32 v11, v0;
	[tilespmem:$0x480] =	vst v1;
	v1 =	vadd.f32 v2, v14;
	v2 =	vadd.f32 v57, v7  }
0x56: {  	v4 =	vadd.f32 v42, v4;
	v3 =	vmul.f32 v3, v0;
	[tilespmem:$0x490] =	vst v9;
	v5 =	vadd.f32 v59, v5  }
0x57: {  	[tilespmem:$0x4B0] =	vst v63;
	v1 =	vmul.f32 v1, v0;
	v2 =	vadd.f32 v61, v2  }
0x58: {  	v4 =	vmul.f32 v4, v0;
	[tilespmem:$0x4A0] =	vst v3;
	v3 =	vadd.f32 v62, v5  }
0x59: {  	[tilespmem:$0x4C0] =	vst v1;
	v1 =	vmul.f32 v2, v0  }
0x5a: {  	[tilespmem:$0x4D0] =	vst v4;
	v2 =	vmul.f32 v3, v0  }
0x5b: {  	p0 =	sne.s32 s6, $0x1;
	[tilespmem:$0x4E0] =	vst v1  }
.Ltmp0:
0x5c: {  	[tilespmem:$0x4F0] =	vst v2;
	(pc) =	sbr.rel @p0 .LBB2_1-.Ltmp0, $4  }
0x5d: {  	[hbm4b:s5+s3] =	stream.linear.scatter [tilespmem:s11], [sflag:$0x2], $0x80, $0x38;
	[tilespmem:$0x500] =	vst v63  }
0x5e: {  	_ =	swait.ge [sflag:s7], $0x80  }
0x5f: {  	[sflag:s7] =	ssyncset.done $0x0  }
0x60: {  	s6 =	sadd.s32 $0xFFFFFFFF, s6;
	[sflag:s7] =	ssyncadd.s32 $0xFFFFFF80  }
0x61: {  	_ =	sfence.sel $0x180000  }
0x62: {  	[bflag:$0x0] =	sbarrier.arrive $0xFFFF  }
0x63: {  	p0 =	sne.s32 s1, $0x0;
	_ =	strace $0x90000047  }
0x64: {  	s0 =	sadd.s32 @!p0 $0x100000, s0;
	[bflag:$0x2] =	sbarrier.arrive $0xFFFF  }
0x65: {  	[sflag:s0] =	ssyncadd.tile.s32 @!p0 $0x1;
	_ =	shalt  }
.Lfunc_end2:
_tile_overlayer_lowered:
.L_overlay_start_2:
0x66: {  	(tag) =	ssettag $0x2  }
0x67: {  	s0 =	rddreg [dreg:$0x0];
	s2 =	stileid.u32  }
0x68: {  	s1 =	rddreg [dreg:$0x1];
	p0 =	sne.s32 s2, $0x0  }
0x69: {  	s3 =	rddreg [dreg:$0x2];
	[bflag:$0x3] =	sbarrier.arrive $0xFFFF;
	s2 =	simm.s32 @!p0 $0x1C02  }
0x6a: {  	[timem:s3], [sflag:s2] =	dma.local @!p0 [hbm:s0], s1  }
0x6b: {  	s0 =	simm.s32 @!p0 $0x2  }
0x6c: {  	_ =	swait.ge @!p0 [sflag:s0], s1  }
0x6d: {  	s1 =	ssub.s32 @!p0 $0x0, s1;
	[sflag:s0] =	ssyncset.done @!p0 $0x0  }
0x6e: {  	[sflag:s0] =	ssyncadd.s32 @!p0 s1  }
0x6f: {  	[bflag:$0x3] =	sbarrier.arrive $0xFFFF  }
0x70: {  	_ =	shalt  }

</sc_bundles>
